<compile_context>
chip_gen: v7x
topology: tpu7x:2x2x1
jax: 0.10.2.dev20260603
libtpu: 0.0.44.dev20260713+nightly
codegen_flags: <defaults>
</compile_context>

<pallas_src>
import jax
import jax.numpy as jnp
from jax import lax
from jax.experimental import pallas as pl
from jax.experimental.pallas import tpu as pltpu
from jax.experimental.pallas import tpu_sc as plsc

N_NODES = 10000
N_EDGES = 320000
D = 128

NC = 2
NS = 16
NPAD = 10112
CHUNK = 72
BPB = 10
NB = 28
K = BPB * NB
EPT = K * CHUNK
EPC = NS * EPT


def _prep_body(x_ref, l_ref, s_ref):
    x = x_ref[...]
    l_ref[...] = jnp.log(jnp.abs(x))
    s_ref[...] = (x < 0).astype(jnp.float32)


def _prep(x):
    rows = 1000
    grid = N_NODES // rows
    return pl.pallas_call(
        _prep_body,
        grid=(grid,),
        in_specs=[pl.BlockSpec((rows, D), lambda i: (i, 0))],
        out_specs=[pl.BlockSpec((rows, D), lambda i: (i, 0))] * 2,
        out_shape=[jax.ShapeDtypeStruct((N_NODES, D), jnp.float32)] * 2,
    )(x)


def _sc_body(table, src4, dst4, zeros, out,
             srcv, dstv, rows, rows2, rows3, rows4, rows5, accum, sem_g, sem_s):
    c = lax.axis_index("c")
    s = lax.axis_index("s")
    w = c * NS + s
    rpt = NPAD // NS

    pltpu.sync_copy(zeros.at[pl.ds(s * rpt, rpt)], accum.at[pl.ds(s * rpt, rpt)])
    plsc.subcore_barrier()

    def block(b, carry):
        pltpu.sync_copy(src4.at[w * NB + b], srcv)
        pltpu.sync_copy(dst4.at[s * NB + b], dstv)
        bufs = (rows, rows2, rows3, rows4, rows5)
        gather = [None] * BPB
        scatter = [None] * BPB
        gather[0] = pltpu.async_copy(table.at[srcv.at[0]], bufs[0], sem_g)
        gather[1] = pltpu.async_copy(table.at[srcv.at[1]], bufs[1], sem_g)
        gather[2] = pltpu.async_copy(table.at[srcv.at[2]], bufs[2], sem_g)
        gather[3] = pltpu.async_copy(table.at[srcv.at[3]], bufs[3], sem_g)
        for j in range(BPB):
            gather[j].wait()
            if j >= 1:
                scatter[j - 1].wait()
            if j + 4 < BPB:
                gather[j + 4] = pltpu.async_copy(
                    table.at[srcv.at[j + 4]], bufs[(j + 4) % 5], sem_g)
            scatter[j] = pltpu.async_copy(
                bufs[j % 5], accum.at[dstv.at[j]], sem_s, add=True)
        scatter[BPB - 1].wait()
        return carry

    lax.fori_loop(0, NB, block, 0)
    plsc.subcore_barrier()

    pltpu.sync_copy(accum.at[pl.ds(s * rpt, rpt)],
                    out.at[pl.ds(c * NPAD + s * rpt, rpt)])


def _segment_sums(table, src4, dst4, zeros):
    mesh = plsc.VectorSubcoreMesh(core_axis_name="c", subcore_axis_name="s")
    fn = pl.kernel(
        _sc_body,
        mesh=mesh,
        out_type=jax.ShapeDtypeStruct((NC * NPAD, D), jnp.float32),
        scratch_types=[
            pltpu.VMEM((BPB, CHUNK), jnp.int32),
            pltpu.VMEM((BPB, CHUNK), jnp.int32),
            pltpu.VMEM((CHUNK, D), jnp.float32),
            pltpu.VMEM((CHUNK, D), jnp.float32),
            pltpu.VMEM((CHUNK, D), jnp.float32),
            pltpu.VMEM((CHUNK, D), jnp.float32),
            pltpu.VMEM((CHUNK, D), jnp.float32),
            pltpu.VMEM_SHARED((NPAD, D), jnp.float32),
            pltpu.SemaphoreType.DMA,
            pltpu.SemaphoreType.DMA,
        ],
    )
    return fn(table, src4, dst4, zeros)


def _h1_body(x_ref, w1t_ref, b1_ref, o_ref):
    o_ref[...] = jnp.dot(x_ref[...], w1t_ref[...],
                         preferred_element_type=jnp.float32) + b1_ref[...]


def _h1(x, w1t, b1):
    rows = 1000
    grid = N_NODES // rows
    blk = pl.BlockSpec((rows, D), lambda i: (i, 0))
    return pl.pallas_call(
        _h1_body,
        grid=(grid,),
        in_specs=[blk, pl.BlockSpec((D, D), lambda i: (0, 0)),
                  pl.BlockSpec((1, D), lambda i: (0, 0))],
        out_specs=blk,
        out_shape=jax.ShapeDtypeStruct((N_NODES, D), jnp.float32),
    )(x, w1t, b1.reshape(1, D))


def _post_body(h1_ref, sl_ref, ss_ref, w2t_ref, b2_ref, o_ref):
    ss = ss_ref[...]
    parity = ss - 2.0 * jnp.floor(ss * 0.5)
    aggr = (1.0 - 2.0 * parity) * jnp.exp(sl_ref[...])
    h2 = jnp.dot(aggr, w2t_ref[...], preferred_element_type=jnp.float32) + b2_ref[...]
    o_ref[...] = h1_ref[...] * h2


def _post(h1, sum_l, sum_s, w2t, b2):
    rows = 1000
    grid = N_NODES // rows
    blk = pl.BlockSpec((rows, D), lambda i: (i, 0))
    return pl.pallas_call(
        _post_body,
        grid=(grid,),
        in_specs=[blk, blk, blk, pl.BlockSpec((D, D), lambda i: (0, 0)),
                  pl.BlockSpec((1, D), lambda i: (0, 0))],
        out_specs=blk,
        out_shape=jax.ShapeDtypeStruct((N_NODES, D), jnp.float32),
    )(h1, sum_l, sum_s, w2t, b2.reshape(1, D))


def kernel(x, edge_index, W1, b1, W2, b2):
    L, S = _prep(x)

    zrows = jnp.zeros((NPAD - N_NODES, D), jnp.float32)
    table = jnp.concatenate([L, zrows, S, zrows], axis=0)

    src = edge_index[0]
    dst = edge_index[1]
    pad = jnp.full((EPC - N_EDGES,), N_NODES, jnp.int32)
    srcp = jnp.concatenate([src, pad])
    dstp = jnp.concatenate([dst, pad])
    src4 = jnp.concatenate([srcp, srcp + NPAD]).reshape(NC * NS * NB, BPB, CHUNK)
    dst4 = dstp.reshape(NS * NB, BPB, CHUNK)
    zeros = jnp.zeros((NPAD, D), jnp.float32)

    h1 = _h1(x, W1.T, b1)
    sums = _segment_sums(table, src4, dst4, zeros)
    sum_l = sums[:N_NODES]
    sum_s = sums[NPAD:NPAD + N_NODES]

    return _post(h1, sum_l, sum_s, W2.T, b2)

# --- scband reference (transcript-rebuilt; emitter-appended) ---
"""Pipeline reference for scband-mignnv3-80788334837818 (READ-ONLY COPY).

The authoritative reference and input builder live on the scoring server;
editing this copy changes nothing except your own understanding.
"""

import jax, jax.numpy as jnp
import numpy as np

N_NODES = 10000
N_EDGES = 320000
D_IN = 128
D_OUT = 128


def setup_inputs(seed: int = 0) -> dict:
    key = jax.random.key(seed)
    k1, k2, k3, k4, k5, k6 = jax.random.split(key, 6)
    x = jax.random.normal(k1, (N_NODES, D_IN), dtype=jnp.float32)
    edge_index = jax.random.randint(k2, (2, N_EDGES), 0, N_NODES, dtype=jnp.int32)
    bound = 1.0 / np.sqrt(D_IN)
    W1 = jax.random.uniform(k3, (D_OUT, D_IN), minval=-bound, maxval=bound, dtype=jnp.float32)
    b1 = jax.random.uniform(k4, (D_OUT,), minval=-bound, maxval=bound, dtype=jnp.float32)
    W2 = jax.random.uniform(k5, (D_OUT, D_IN), minval=-bound, maxval=bound, dtype=jnp.float32)
    b2 = jax.random.uniform(k6, (D_OUT,), minval=-bound, maxval=bound, dtype=jnp.float32)
    return {"x": x, "edge_index": edge_index, "W1": W1, "b1": b1, "W2": W2, "b2": b2}


def reference(x, edge_index, W1, b1, W2, b2):
    # h1 = lin1(x)
    h1 = x @ W1.T + b1
    # aggr_out = scatter(x[src], dst, dim=0, dim_size=N, reduce='mul')
    src = edge_index[0]
    dst = edge_index[1]
    gathered = jnp.take(x, src, axis=0)
    aggr_out = jax.ops.segment_prod(gathered, dst, num_segments=x.shape[0])
    # out = h1 * lin2(aggr_out)
    out = h1 * (aggr_out @ W2.T + b2)
    return out

if __name__ == "__main__":
    import jax
    _d = setup_inputs()
    print(jax.jit(kernel)(*tuple(_d.values())))

</pallas_src>

<mosaic_0001>
#map = affine_map<(d0, d1) -> (0, 0)>
#map1 = affine_map<(d0, d1) -> (0, 0, 0)>
module attributes {stable_mosaic.version = 14 : i64} {
  func.func @_sc_body(%arg0: i32, %arg1: i32, %arg2: memref<20224x128xf32, #tpu.memory_space<hbm>>, %arg3: memref<896x10x72xi32, #tpu.memory_space<hbm>>, %arg4: memref<448x10x72xi32, #tpu.memory_space<hbm>>, %arg5: memref<10112x128xf32, #tpu.memory_space<hbm>>, %arg6: memref<20224x128xf32, #tpu.memory_space<hbm>>, %arg7: memref<10x72xi32, #tpu.memory_space<vmem>>, %arg8: memref<10x72xi32, #tpu.memory_space<vmem>>, %arg9: memref<72x128xf32, #tpu.memory_space<vmem>>, %arg10: memref<72x128xf32, #tpu.memory_space<vmem>>, %arg11: memref<72x128xf32, #tpu.memory_space<vmem>>, %arg12: memref<72x128xf32, #tpu.memory_space<vmem>>, %arg13: memref<72x128xf32, #tpu.memory_space<vmem>>, %arg14: memref<10112x128xf32, #tpu.memory_space<vmem_shared>>, %arg15: memref<!tpu.dma_semaphore, #tpu.memory_space<semaphore_mem>>, %arg16: memref<!tpu.dma_semaphore, #tpu.memory_space<semaphore_mem>>) attributes {dimension_semantics = [#tpu.dimension_semantics<core_parallel>, #tpu.dimension_semantics<subcore_parallel>], iteration_bounds = array<i64: 2, 16>, scalar_prefetch = 0 : i64, scratch_operands = 10 : i64, tpu.core_type = #tpu.core_type<sc_vector_subcore>, window_params = [{transform_indices = #map}, {transform_indices = #map1}, {transform_indices = #map1}, {transform_indices = #map}, {transform_indices = #map}]} {
    %mul3A = arith.constant 16 : i32
    %mul3A_0 = arith.muli %arg0, %mul3A : i32
    %add3A = arith.addi %mul3A_0, %arg1 : i32
    %mul3A_1 = arith.constant 632 : i32
    %mul3A_2 = arith.muli %arg1, %mul3A_1 : i32
    %mul3A_3 = arith.constant 632 : i32
    %mul3A_4 = arith.muli %arg1, %mul3A_3 : i32
    "tpu.region"() ({
      %run_scoped3A = tpu.sem_alloc : memref<!tpu.dma_semaphore, #tpu.memory_space<semaphore_mem>>
      %dma_start3A = arith.constant 0 : i32
      %dma_start3A_18 = tpu.memref_slice %arg14[%mul3A_4, %dma_start3A] : memref<10112x128xf32, #tpu.memory_space<vmem_shared>> -> memref<632x128xf32, #tpu.memory_space<vmem_shared>>
      %dma_start3A_19 = arith.constant 0 : i32
      %dma_start3A_20 = tpu.memref_slice %arg5[%mul3A_2, %dma_start3A_19] : memref<10112x128xf32, #tpu.memory_space<hbm>> -> memref<632x128xf32, #tpu.memory_space<hbm>>
      tpu.enqueue_dma source(%dma_start3A_20 : memref<632x128xf32, #tpu.memory_space<hbm>>) target(%dma_start3A_18 : memref<632x128xf32, #tpu.memory_space<vmem_shared>>) target_semaphore(%run_scoped3A : memref<!tpu.dma_semaphore, #tpu.memory_space<semaphore_mem>>)
      %dma_wait3A = arith.constant 0 : i32
      %dma_wait3A_21 = tpu.memref_slice %arg14[%mul3A_4, %dma_wait3A] : memref<10112x128xf32, #tpu.memory_space<vmem_shared>> -> memref<632x128xf32, #tpu.memory_space<vmem_shared>>
      %dma_wait3A_22 = arith.constant 0 : i32
      %dma_wait3A_23 = tpu.memref_slice %arg5[%mul3A_2, %dma_wait3A_22] : memref<10112x128xf32, #tpu.memory_space<hbm>> -> memref<632x128xf32, #tpu.memory_space<hbm>>
      tpu.wait_dma2 semaphore(%run_scoped3A : memref<!tpu.dma_semaphore, #tpu.memory_space<semaphore_mem>>) src(%dma_wait3A_23 : memref<632x128xf32, #tpu.memory_space<hbm>>) dst(%dma_wait3A_21 : memref<632x128xf32, #tpu.memory_space<vmem_shared>>)
      tpu.yield
    }) : () -> ()
    %barrier3A = arith.constant 0 : index
    tpu.barrier barrier_id(%barrier3A)
    %scan3A = arith.constant 0 : i32
    %scan3A_5 = arith.constant 0 : i32
    %scan3A_6 = arith.constant 28 : i32
    %scan3A_7 = arith.addi %scan3A_5, %scan3A_6 : i32
    %scan3A_8 = arith.constant 1 : i32
    scf.for %scan3A_18 = %scan3A_5 to %scan3A_7 step %scan3A_8  : i32 {
      %mul3A_19 = arith.constant 28 : i32
      %mul3A_20 = arith.muli %add3A, %mul3A_19 : i32
      %add3A_21 = arith.addi %mul3A_20, %scan3A_18 : i32
      "tpu.region"() ({
        %run_scoped3A = tpu.sem_alloc : memref<!tpu.dma_semaphore, #tpu.memory_space<semaphore_mem>>
        %dma_start3A_303 = arith.constant 0 : i32
        %dma_start3A_304 = arith.constant 0 : i32
        %dma_start3A_305 = tpu.memref_slice %arg3[%add3A_21, %dma_start3A_303, %dma_start3A_304] : memref<896x10x72xi32, #tpu.memory_space<hbm>> -> memref<1x10x72xi32, #tpu.memory_space<hbm>>
        %dma_start3A_306 = tpu.memref_squeeze %dma_start3A_305 : memref<1x10x72xi32, #tpu.memory_space<hbm>> -> memref<10x72xi32, #tpu.memory_space<hbm>>
        %dma_start3A_307 = arith.constant 0 : i32
        %dma_start3A_308 = arith.constant 0 : i32
        %dma_start3A_309 = tpu.memref_slice %arg3[%add3A_21, %dma_start3A_307, %dma_start3A_308] : memref<896x10x72xi32, #tpu.memory_space<hbm>> -> memref<1x10x72xi32, #tpu.memory_space<hbm>>
        %dma_start3A_310 = tpu.memref_squeeze %dma_start3A_309 : memref<1x10x72xi32, #tpu.memory_space<hbm>> -> memref<10x72xi32, #tpu.memory_space<hbm>>
        tpu.enqueue_dma source(%dma_start3A_310 : memref<10x72xi32, #tpu.memory_space<hbm>>) target(%arg7 : memref<10x72xi32, #tpu.memory_space<vmem>>) target_semaphore(%run_scoped3A : memref<!tpu.dma_semaphore, #tpu.memory_space<semaphore_mem>>)
        %dma_wait3A_311 = arith.constant 0 : i32
        %dma_wait3A_312 = arith.constant 0 : i32
        %dma_wait3A_313 = tpu.memref_slice %arg3[%add3A_21, %dma_wait3A_311, %dma_wait3A_312] : memref<896x10x72xi32, #tpu.memory_space<hbm>> -> memref<1x10x72xi32, #tpu.memory_space<hbm>>
        %dma_wait3A_314 = tpu.memref_squeeze %dma_wait3A_313 : memref<1x10x72xi32, #tpu.memory_space<hbm>> -> memref<10x72xi32, #tpu.memory_space<hbm>>
        %dma_wait3A_315 = arith.constant 0 : i32
        %dma_wait3A_316 = arith.constant 0 : i32
        %dma_wait3A_317 = tpu.memref_slice %arg3[%add3A_21, %dma_wait3A_315, %dma_wait3A_316] : memref<896x10x72xi32, #tpu.memory_space<hbm>> -> memref<1x10x72xi32, #tpu.memory_space<hbm>>
        %dma_wait3A_318 = tpu.memref_squeeze %dma_wait3A_317 : memref<1x10x72xi32, #tpu.memory_space<hbm>> -> memref<10x72xi32, #tpu.memory_space<hbm>>
        tpu.wait_dma2 semaphore(%run_scoped3A : memref<!tpu.dma_semaphore, #tpu.memory_space<semaphore_mem>>) src(%dma_wait3A_318 : memref<10x72xi32, #tpu.memory_space<hbm>>) dst(%arg7 : memref<10x72xi32, #tpu.memory_space<vmem>>)
        tpu.yield
      }) : () -> ()
      %mul3A_22 = arith.constant 28 : i32
      %mul3A_23 = arith.muli %arg1, %mul3A_22 : i32
      %add3A_24 = arith.addi %mul3A_23, %scan3A_18 : i32
      "tpu.region"() ({
        %run_scoped3A = tpu.sem_alloc : memref<!tpu.dma_semaphore, #tpu.memory_space<semaphore_mem>>
        %dma_start3A_303 = arith.constant 0 : i32
        %dma_start3A_304 = arith.constant 0 : i32
        %dma_start3A_305 = tpu.memref_slice %arg4[%add3A_24, %dma_start3A_303, %dma_start3A_304] : memref<448x10x72xi32, #tpu.memory_space<hbm>> -> memref<1x10x72xi32, #tpu.memory_space<hbm>>
        %dma_start3A_306 = tpu.memref_squeeze %dma_start3A_305 : memref<1x10x72xi32, #tpu.memory_space<hbm>> -> memref<10x72xi32, #tpu.memory_space<hbm>>
        %dma_start3A_307 = arith.constant 0 : i32
        %dma_start3A_308 = arith.constant 0 : i32
        %dma_start3A_309 = tpu.memref_slice %arg4[%add3A_24, %dma_start3A_307, %dma_start3A_308] : memref<448x10x72xi32, #tpu.memory_space<hbm>> -> memref<1x10x72xi32, #tpu.memory_space<hbm>>
        %dma_start3A_310 = tpu.memref_squeeze %dma_start3A_309 : memref<1x10x72xi32, #tpu.memory_space<hbm>> -> memref<10x72xi32, #tpu.memory_space<hbm>>
        tpu.enqueue_dma source(%dma_start3A_310 : memref<10x72xi32, #tpu.memory_space<hbm>>) target(%arg8 : memref<10x72xi32, #tpu.memory_space<vmem>>) target_semaphore(%run_scoped3A : memref<!tpu.dma_semaphore, #tpu.memory_space<semaphore_mem>>)
        %dma_wait3A_311 = arith.constant 0 : i32
        %dma_wait3A_312 = arith.constant 0 : i32
        %dma_wait3A_313 = tpu.memref_slice %arg4[%add3A_24, %dma_wait3A_311, %dma_wait3A_312] : memref<448x10x72xi32, #tpu.memory_space<hbm>> -> memref<1x10x72xi32, #tpu.memory_space<hbm>>
        %dma_wait3A_314 = tpu.memref_squeeze %dma_wait3A_313 : memref<1x10x72xi32, #tpu.memory_space<hbm>> -> memref<10x72xi32, #tpu.memory_space<hbm>>
        %dma_wait3A_315 = arith.constant 0 : i32
        %dma_wait3A_316 = arith.constant 0 : i32
        %dma_wait3A_317 = tpu.memref_slice %arg4[%add3A_24, %dma_wait3A_315, %dma_wait3A_316] : memref<448x10x72xi32, #tpu.memory_space<hbm>> -> memref<1x10x72xi32, #tpu.memory_space<hbm>>
        %dma_wait3A_318 = tpu.memref_squeeze %dma_wait3A_317 : memref<1x10x72xi32, #tpu.memory_space<hbm>> -> memref<10x72xi32, #tpu.memory_space<hbm>>
        tpu.wait_dma2 semaphore(%run_scoped3A : memref<!tpu.dma_semaphore, #tpu.memory_space<semaphore_mem>>) src(%dma_wait3A_318 : memref<10x72xi32, #tpu.memory_space<hbm>>) dst(%arg8 : memref<10x72xi32, #tpu.memory_space<vmem>>)
        tpu.yield
      }) : () -> ()
      %dma_start3A = arith.constant 0 : i32
      %dma_start3A_25 = arith.constant 0 : i32
      %dma_start3A_26 = tpu.memref_slice %arg7[%dma_start3A, %dma_start3A_25] : memref<10x72xi32, #tpu.memory_space<vmem>> -> memref<1x72xi32, #tpu.memory_space<vmem>>
      %dma_start3A_27 = tpu.memref_squeeze %dma_start3A_26 : memref<1x72xi32, #tpu.memory_space<vmem>> -> memref<72xi32, #tpu.memory_space<vmem>>
      %dma_start3A_28 = arith.constant 0 : i32
      %dma_start3A_29 = arith.constant 0 : i32
      %dma_start3A_30 = tpu.memref_slice %arg2[%dma_start3A_28, %dma_start3A_29] : memref<20224x128xf32, #tpu.memory_space<hbm>> -> memref<20224x128xf32, #tpu.memory_space<hbm>>
      tpu.enqueue_indirect_dma source(%dma_start3A_30 : memref<20224x128xf32, #tpu.memory_space<hbm>>) target(%arg9 : memref<72x128xf32, #tpu.memory_space<vmem>>) offsets(%dma_start3A_27 : memref<72xi32, #tpu.memory_space<vmem>>) semaphore(%arg15 : memref<!tpu.dma_semaphore, #tpu.memory_space<semaphore_mem>>)
      %dma_start3A_31 = arith.constant 1 : i32
      %dma_start3A_32 = arith.constant 0 : i32
      %dma_start3A_33 = tpu.memref_slice %arg7[%dma_start3A_31, %dma_start3A_32] : memref<10x72xi32, #tpu.memory_space<vmem>> -> memref<1x72xi32, #tpu.memory_space<vmem>>
      %dma_start3A_34 = tpu.memref_squeeze %dma_start3A_33 : memref<1x72xi32, #tpu.memory_space<vmem>> -> memref<72xi32, #tpu.memory_space<vmem>>
      %dma_start3A_35 = arith.constant 0 : i32
      %dma_start3A_36 = arith.constant 0 : i32
      %dma_start3A_37 = tpu.memref_slice %arg2[%dma_start3A_35, %dma_start3A_36] : memref<20224x128xf32, #tpu.memory_space<hbm>> -> memref<20224x128xf32, #tpu.memory_space<hbm>>
      tpu.enqueue_indirect_dma source(%dma_start3A_37 : memref<20224x128xf32, #tpu.memory_space<hbm>>) target(%arg10 : memref<72x128xf32, #tpu.memory_space<vmem>>) offsets(%dma_start3A_34 : memref<72xi32, #tpu.memory_space<vmem>>) semaphore(%arg15 : memref<!tpu.dma_semaphore, #tpu.memory_space<semaphore_mem>>)
      %dma_start3A_38 = arith.constant 2 : i32
      %dma_start3A_39 = arith.constant 0 : i32
      %dma_start3A_40 = tpu.memref_slice %arg7[%dma_start3A_38, %dma_start3A_39] : memref<10x72xi32, #tpu.memory_space<vmem>> -> memref<1x72xi32, #tpu.memory_space<vmem>>
      %dma_start3A_41 = tpu.memref_squeeze %dma_start3A_40 : memref<1x72xi32, #tpu.memory_space<vmem>> -> memref<72xi32, #tpu.memory_space<vmem>>
      %dma_start3A_42 = arith.constant 0 : i32
      %dma_start3A_43 = arith.constant 0 : i32
      %dma_start3A_44 = tpu.memref_slice %arg2[%dma_start3A_42, %dma_start3A_43] : memref<20224x128xf32, #tpu.memory_space<hbm>> -> memref<20224x128xf32, #tpu.memory_space<hbm>>
      tpu.enqueue_indirect_dma source(%dma_start3A_44 : memref<20224x128xf32, #tpu.memory_space<hbm>>) target(%arg11 : memref<72x128xf32, #tpu.memory_space<vmem>>) offsets(%dma_start3A_41 : memref<72xi32, #tpu.memory_space<vmem>>) semaphore(%arg15 : memref<!tpu.dma_semaphore, #tpu.memory_space<semaphore_mem>>)
      %dma_start3A_45 = arith.constant 3 : i32
      %dma_start3A_46 = arith.constant 0 : i32
      %dma_start3A_47 = tpu.memref_slice %arg7[%dma_start3A_45, %dma_start3A_46] : memref<10x72xi32, #tpu.memory_space<vmem>> -> memref<1x72xi32, #tpu.memory_space<vmem>>
      %dma_start3A_48 = tpu.memref_squeeze %dma_start3A_47 : memref<1x72xi32, #tpu.memory_space<vmem>> -> memref<72xi32, #tpu.memory_space<vmem>>
      %dma_start3A_49 = arith.constant 0 : i32
      %dma_start3A_50 = arith.constant 0 : i32
      %dma_start3A_51 = tpu.memref_slice %arg2[%dma_start3A_49, %dma_start3A_50] : memref<20224x128xf32, #tpu.memory_space<hbm>> -> memref<20224x128xf32, #tpu.memory_space<hbm>>
      tpu.enqueue_indirect_dma source(%dma_start3A_51 : memref<20224x128xf32, #tpu.memory_space<hbm>>) target(%arg12 : memref<72x128xf32, #tpu.memory_space<vmem>>) offsets(%dma_start3A_48 : memref<72xi32, #tpu.memory_space<vmem>>) semaphore(%arg15 : memref<!tpu.dma_semaphore, #tpu.memory_space<semaphore_mem>>)
      %dma_wait3A = arith.constant 0 : i32
      %dma_wait3A_52 = arith.constant 0 : i32
      %dma_wait3A_53 = tpu.memref_slice %arg7[%dma_wait3A, %dma_wait3A_52] : memref<10x72xi32, #tpu.memory_space<vmem>> -> memref<1x72xi32, #tpu.memory_space<vmem>>
      %dma_wait3A_54 = tpu.memref_squeeze %dma_wait3A_53 : memref<1x72xi32, #tpu.memory_space<vmem>> -> memref<72xi32, #tpu.memory_space<vmem>>
      %dma_wait3A_55 = arith.constant 0 : i32
      %dma_wait3A_56 = arith.constant 0 : i32
      %dma_wait3A_57 = tpu.memref_slice %arg2[%dma_wait3A_55, %dma_wait3A_56] : memref<20224x128xf32, #tpu.memory_space<hbm>> -> memref<20224x128xf32, #tpu.memory_space<hbm>>
      tpu.wait_indirect_dma semaphore(%arg15 : memref<!tpu.dma_semaphore, #tpu.memory_space<semaphore_mem>>) src(%dma_wait3A_57 : memref<20224x128xf32, #tpu.memory_space<hbm>>) dst(%arg9 : memref<72x128xf32, #tpu.memory_space<vmem>>)
      %dma_start3A_58 = arith.constant 4 : i32
      %dma_start3A_59 = arith.constant 0 : i32
      %dma_start3A_60 = tpu.memref_slice %arg7[%dma_start3A_58, %dma_start3A_59] : memref<10x72xi32, #tpu.memory_space<vmem>> -> memref<1x72xi32, #tpu.memory_space<vmem>>
      %dma_start3A_61 = tpu.memref_squeeze %dma_start3A_60 : memref<1x72xi32, #tpu.memory_space<vmem>> -> memref<72xi32, #tpu.memory_space<vmem>>
      %dma_start3A_62 = arith.constant 0 : i32
      %dma_start3A_63 = arith.constant 0 : i32
      %dma_start3A_64 = tpu.memref_slice %arg2[%dma_start3A_62, %dma_start3A_63] : memref<20224x128xf32, #tpu.memory_space<hbm>> -> memref<20224x128xf32, #tpu.memory_space<hbm>>
      tpu.enqueue_indirect_dma source(%dma_start3A_64 : memref<20224x128xf32, #tpu.memory_space<hbm>>) target(%arg13 : memref<72x128xf32, #tpu.memory_space<vmem>>) offsets(%dma_start3A_61 : memref<72xi32, #tpu.memory_space<vmem>>) semaphore(%arg15 : memref<!tpu.dma_semaphore, #tpu.memory_space<semaphore_mem>>)
      %dma_start3A_65 = arith.constant 0 : i32
      %dma_start3A_66 = arith.constant 0 : i32
      %dma_start3A_67 = tpu.memref_slice %arg8[%dma_start3A_65, %dma_start3A_66] : memref<10x72xi32, #tpu.memory_space<vmem>> -> memref<1x72xi32, #tpu.memory_space<vmem>>
      %dma_start3A_68 = tpu.memref_squeeze %dma_start3A_67 : memref<1x72xi32, #tpu.memory_space<vmem>> -> memref<72xi32, #tpu.memory_space<vmem>>
      %dma_start3A_69 = arith.constant 0 : i32
      %dma_start3A_70 = arith.constant 0 : i32
      %dma_start3A_71 = tpu.memref_slice %arg14[%dma_start3A_69, %dma_start3A_70] : memref<10112x128xf32, #tpu.memory_space<vmem_shared>> -> memref<10112x128xf32, #tpu.memory_space<vmem_shared>>
      tpu.enqueue_indirect_dma source(%arg9 : memref<72x128xf32, #tpu.memory_space<vmem>>) target(%dma_start3A_71 : memref<10112x128xf32, #tpu.memory_space<vmem_shared>>) offsets(%dma_start3A_68 : memref<72xi32, #tpu.memory_space<vmem>>) semaphore(%arg16 : memref<!tpu.dma_semaphore, #tpu.memory_space<semaphore_mem>>) {add = true}
      %dma_wait3A_72 = arith.constant 1 : i32
      %dma_wait3A_73 = arith.constant 0 : i32
      %dma_wait3A_74 = tpu.memref_slice %arg7[%dma_wait3A_72, %dma_wait3A_73] : memref<10x72xi32, #tpu.memory_space<vmem>> -> memref<1x72xi32, #tpu.memory_space<vmem>>
      %dma_wait3A_75 = tpu.memref_squeeze %dma_wait3A_74 : memref<1x72xi32, #tpu.memory_space<vmem>> -> memref<72xi32, #tpu.memory_space<vmem>>
      %dma_wait3A_76 = arith.constant 0 : i32
      %dma_wait3A_77 = arith.constant 0 : i32
      %dma_wait3A_78 = tpu.memref_slice %arg2[%dma_wait3A_76, %dma_wait3A_77] : memref<20224x128xf32, #tpu.memory_space<hbm>> -> memref<20224x128xf32, #tpu.memory_space<hbm>>
      tpu.wait_indirect_dma semaphore(%arg15 : memref<!tpu.dma_semaphore, #tpu.memory_space<semaphore_mem>>) src(%dma_wait3A_78 : memref<20224x128xf32, #tpu.memory_space<hbm>>) dst(%arg10 : memref<72x128xf32, #tpu.memory_space<vmem>>)
      %dma_wait3A_79 = arith.constant 0 : i32
      %dma_wait3A_80 = arith.constant 0 : i32
      %dma_wait3A_81 = tpu.memref_slice %arg8[%dma_wait3A_79, %dma_wait3A_80] : memref<10x72xi32, #tpu.memory_space<vmem>> -> memref<1x72xi32, #tpu.memory_space<vmem>>
      %dma_wait3A_82 = tpu.memref_squeeze %dma_wait3A_81 : memref<1x72xi32, #tpu.memory_space<vmem>> -> memref<72xi32, #tpu.memory_space<vmem>>
      %dma_wait3A_83 = arith.constant 0 : i32
      %dma_wait3A_84 = arith.constant 0 : i32
      %dma_wait3A_85 = tpu.memref_slice %arg14[%dma_wait3A_83, %dma_wait3A_84] : memref<10112x128xf32, #tpu.memory_space<vmem_shared>> -> memref<10112x128xf32, #tpu.memory_space<vmem_shared>>
      tpu.wait_indirect_dma semaphore(%arg16 : memref<!tpu.dma_semaphore, #tpu.memory_space<semaphore_mem>>) src(%arg9 : memref<72x128xf32, #tpu.memory_space<vmem>>) dst(%dma_wait3A_85 : memref<10112x128xf32, #tpu.memory_space<vmem_shared>>)
      %dma_start3A_86 = arith.constant 5 : i32
      %dma_start3A_87 = arith.constant 0 : i32
      %dma_start3A_88 = tpu.memref_slice %arg7[%dma_start3A_86, %dma_start3A_87] : memref<10x72xi32, #tpu.memory_space<vmem>> -> memref<1x72xi32, #tpu.memory_space<vmem>>
      %dma_start3A_89 = tpu.memref_squeeze %dma_start3A_88 : memref<1x72xi32, #tpu.memory_space<vmem>> -> memref<72xi32, #tpu.memory_space<vmem>>
      %dma_start3A_90 = arith.constant 0 : i32
      %dma_start3A_91 = arith.constant 0 : i32
      %dma_start3A_92 = tpu.memref_slice %arg2[%dma_start3A_90, %dma_start3A_91] : memref<20224x128xf32, #tpu.memory_space<hbm>> -> memref<20224x128xf32, #tpu.memory_space<hbm>>
      tpu.enqueue_indirect_dma source(%dma_start3A_92 : memref<20224x128xf32, #tpu.memory_space<hbm>>) target(%arg9 : memref<72x128xf32, #tpu.memory_space<vmem>>) offsets(%dma_start3A_89 : memref<72xi32, #tpu.memory_space<vmem>>) semaphore(%arg15 : memref<!tpu.dma_semaphore, #tpu.memory_space<semaphore_mem>>)
      %dma_start3A_93 = arith.constant 1 : i32
      %dma_start3A_94 = arith.constant 0 : i32
      %dma_start3A_95 = tpu.memref_slice %arg8[%dma_start3A_93, %dma_start3A_94] : memref<10x72xi32, #tpu.memory_space<vmem>> -> memref<1x72xi32, #tpu.memory_space<vmem>>
      %dma_start3A_96 = tpu.memref_squeeze %dma_start3A_95 : memref<1x72xi32, #tpu.memory_space<vmem>> -> memref<72xi32, #tpu.memory_space<vmem>>
      %dma_start3A_97 = arith.constant 0 : i32
      %dma_start3A_98 = arith.constant 0 : i32
      %dma_start3A_99 = tpu.memref_slice %arg14[%dma_start3A_97, %dma_start3A_98] : memref<10112x128xf32, #tpu.memory_space<vmem_shared>> -> memref<10112x128xf32, #tpu.memory_space<vmem_shared>>
      tpu.enqueue_indirect_dma source(%arg10 : memref<72x128xf32, #tpu.memory_space<vmem>>) target(%dma_start3A_99 : memref<10112x128xf32, #tpu.memory_space<vmem_shared>>) offsets(%dma_start3A_96 : memref<72xi32, #tpu.memory_space<vmem>>) semaphore(%arg16 : memref<!tpu.dma_semaphore, #tpu.memory_space<semaphore_mem>>) {add = true}
      %dma_wait3A_100 = arith.constant 2 : i32
      %dma_wait3A_101 = arith.constant 0 : i32
      %dma_wait3A_102 = tpu.memref_slice %arg7[%dma_wait3A_100, %dma_wait3A_101] : memref<10x72xi32, #tpu.memory_space<vmem>> -> memref<1x72xi32, #tpu.memory_space<vmem>>
      %dma_wait3A_103 = tpu.memref_squeeze %dma_wait3A_102 : memref<1x72xi32, #tpu.memory_space<vmem>> -> memref<72xi32, #tpu.memory_space<vmem>>
      %dma_wait3A_104 = arith.constant 0 : i32
      %dma_wait3A_105 = arith.constant 0 : i32
      %dma_wait3A_106 = tpu.memref_slice %arg2[%dma_wait3A_104, %dma_wait3A_105] : memref<20224x128xf32, #tpu.memory_space<hbm>> -> memref<20224x128xf32, #tpu.memory_space<hbm>>
      tpu.wait_indirect_dma semaphore(%arg15 : memref<!tpu.dma_semaphore, #tpu.memory_space<semaphore_mem>>) src(%dma_wait3A_106 : memref<20224x128xf32, #tpu.memory_space<hbm>>) dst(%arg11 : memref<72x128xf32, #tpu.memory_space<vmem>>)
      %dma_wait3A_107 = arith.constant 1 : i32
      %dma_wait3A_108 = arith.constant 0 : i32
      %dma_wait3A_109 = tpu.memref_slice %arg8[%dma_wait3A_107, %dma_wait3A_108] : memref<10x72xi32, #tpu.memory_space<vmem>> -> memref<1x72xi32, #tpu.memory_space<vmem>>
      %dma_wait3A_110 = tpu.memref_squeeze %dma_wait3A_109 : memref<1x72xi32, #tpu.memory_space<vmem>> -> memref<72xi32, #tpu.memory_space<vmem>>
      %dma_wait3A_111 = arith.constant 0 : i32
      %dma_wait3A_112 = arith.constant 0 : i32
      %dma_wait3A_113 = tpu.memref_slice %arg14[%dma_wait3A_111, %dma_wait3A_112] : memref<10112x128xf32, #tpu.memory_space<vmem_shared>> -> memref<10112x128xf32, #tpu.memory_space<vmem_shared>>
      tpu.wait_indirect_dma semaphore(%arg16 : memref<!tpu.dma_semaphore, #tpu.memory_space<semaphore_mem>>) src(%arg10 : memref<72x128xf32, #tpu.memory_space<vmem>>) dst(%dma_wait3A_113 : memref<10112x128xf32, #tpu.memory_space<vmem_shared>>)
      %dma_start3A_114 = arith.constant 6 : i32
      %dma_start3A_115 = arith.constant 0 : i32
      %dma_start3A_116 = tpu.memref_slice %arg7[%dma_start3A_114, %dma_start3A_115] : memref<10x72xi32, #tpu.memory_space<vmem>> -> memref<1x72xi32, #tpu.memory_space<vmem>>
      %dma_start3A_117 = tpu.memref_squeeze %dma_start3A_116 : memref<1x72xi32, #tpu.memory_space<vmem>> -> memref<72xi32, #tpu.memory_space<vmem>>
      %dma_start3A_118 = arith.constant 0 : i32
      %dma_start3A_119 = arith.constant 0 : i32
      %dma_start3A_120 = tpu.memref_slice %arg2[%dma_start3A_118, %dma_start3A_119] : memref<20224x128xf32, #tpu.memory_space<hbm>> -> memref<20224x128xf32, #tpu.memory_space<hbm>>
      tpu.enqueue_indirect_dma source(%dma_start3A_120 : memref<20224x128xf32, #tpu.memory_space<hbm>>) target(%arg10 : memref<72x128xf32, #tpu.memory_space<vmem>>) offsets(%dma_start3A_117 : memref<72xi32, #tpu.memory_space<vmem>>) semaphore(%arg15 : memref<!tpu.dma_semaphore, #tpu.memory_space<semaphore_mem>>)
      %dma_start3A_121 = arith.constant 2 : i32
      %dma_start3A_122 = arith.constant 0 : i32
      %dma_start3A_123 = tpu.memref_slice %arg8[%dma_start3A_121, %dma_start3A_122] : memref<10x72xi32, #tpu.memory_space<vmem>> -> memref<1x72xi32, #tpu.memory_space<vmem>>
      %dma_start3A_124 = tpu.memref_squeeze %dma_start3A_123 : memref<1x72xi32, #tpu.memory_space<vmem>> -> memref<72xi32, #tpu.memory_space<vmem>>
      %dma_start3A_125 = arith.constant 0 : i32
      %dma_start3A_126 = arith.constant 0 : i32
      %dma_start3A_127 = tpu.memref_slice %arg14[%dma_start3A_125, %dma_start3A_126] : memref<10112x128xf32, #tpu.memory_space<vmem_shared>> -> memref<10112x128xf32, #tpu.memory_space<vmem_shared>>
      tpu.enqueue_indirect_dma source(%arg11 : memref<72x128xf32, #tpu.memory_space<vmem>>) target(%dma_start3A_127 : memref<10112x128xf32, #tpu.memory_space<vmem_shared>>) offsets(%dma_start3A_124 : memref<72xi32, #tpu.memory_space<vmem>>) semaphore(%arg16 : memref<!tpu.dma_semaphore, #tpu.memory_space<semaphore_mem>>) {add = true}
      %dma_wait3A_128 = arith.constant 3 : i32
      %dma_wait3A_129 = arith.constant 0 : i32
      %dma_wait3A_130 = tpu.memref_slice %arg7[%dma_wait3A_128, %dma_wait3A_129] : memref<10x72xi32, #tpu.memory_space<vmem>> -> memref<1x72xi32, #tpu.memory_space<vmem>>
      %dma_wait3A_131 = tpu.memref_squeeze %dma_wait3A_130 : memref<1x72xi32, #tpu.memory_space<vmem>> -> memref<72xi32, #tpu.memory_space<vmem>>
      %dma_wait3A_132 = arith.constant 0 : i32
      %dma_wait3A_133 = arith.constant 0 : i32
      %dma_wait3A_134 = tpu.memref_slice %arg2[%dma_wait3A_132, %dma_wait3A_133] : memref<20224x128xf32, #tpu.memory_space<hbm>> -> memref<20224x128xf32, #tpu.memory_space<hbm>>
      tpu.wait_indirect_dma semaphore(%arg15 : memref<!tpu.dma_semaphore, #tpu.memory_space<semaphore_mem>>) src(%dma_wait3A_134 : memref<20224x128xf32, #tpu.memory_space<hbm>>) dst(%arg12 : memref<72x128xf32, #tpu.memory_space<vmem>>)
      %dma_wait3A_135 = arith.constant 2 : i32
      %dma_wait3A_136 = arith.constant 0 : i32
      %dma_wait3A_137 = tpu.memref_slice %arg8[%dma_wait3A_135, %dma_wait3A_136] : memref<10x72xi32, #tpu.memory_space<vmem>> -> memref<1x72xi32, #tpu.memory_space<vmem>>
      %dma_wait3A_138 = tpu.memref_squeeze %dma_wait3A_137 : memref<1x72xi32, #tpu.memory_space<vmem>> -> memref<72xi32, #tpu.memory_space<vmem>>
      %dma_wait3A_139 = arith.constant 0 : i32
      %dma_wait3A_140 = arith.constant 0 : i32
      %dma_wait3A_141 = tpu.memref_slice %arg14[%dma_wait3A_139, %dma_wait3A_140] : memref<10112x128xf32, #tpu.memory_space<vmem_shared>> -> memref<10112x128xf32, #tpu.memory_space<vmem_shared>>
      tpu.wait_indirect_dma semaphore(%arg16 : memref<!tpu.dma_semaphore, #tpu.memory_space<semaphore_mem>>) src(%arg11 : memref<72x128xf32, #tpu.memory_space<vmem>>) dst(%dma_wait3A_141 : memref<10112x128xf32, #tpu.memory_space<vmem_shared>>)
      %dma_start3A_142 = arith.constant 7 : i32
      %dma_start3A_143 = arith.constant 0 : i32
      %dma_start3A_144 = tpu.memref_slice %arg7[%dma_start3A_142, %dma_start3A_143] : memref<10x72xi32, #tpu.memory_space<vmem>> -> memref<1x72xi32, #tpu.memory_space<vmem>>
      %dma_start3A_145 = tpu.memref_squeeze %dma_start3A_144 : memref<1x72xi32, #tpu.memory_space<vmem>> -> memref<72xi32, #tpu.memory_space<vmem>>
      %dma_start3A_146 = arith.constant 0 : i32
      %dma_start3A_147 = arith.constant 0 : i32
      %dma_start3A_148 = tpu.memref_slice %arg2[%dma_start3A_146, %dma_start3A_147] : memref<20224x128xf32, #tpu.memory_space<hbm>> -> memref<20224x128xf32, #tpu.memory_space<hbm>>
      tpu.enqueue_indirect_dma source(%dma_start3A_148 : memref<20224x128xf32, #tpu.memory_space<hbm>>) target(%arg11 : memref<72x128xf32, #tpu.memory_space<vmem>>) offsets(%dma_start3A_145 : memref<72xi32, #tpu.memory_space<vmem>>) semaphore(%arg15 : memref<!tpu.dma_semaphore, #tpu.memory_space<semaphore_mem>>)
      %dma_start3A_149 = arith.constant 3 : i32
      %dma_start3A_150 = arith.constant 0 : i32
      %dma_start3A_151 = tpu.memref_slice %arg8[%dma_start3A_149, %dma_start3A_150] : memref<10x72xi32, #tpu.memory_space<vmem>> -> memref<1x72xi32, #tpu.memory_space<vmem>>
      %dma_start3A_152 = tpu.memref_squeeze %dma_start3A_151 : memref<1x72xi32, #tpu.memory_space<vmem>> -> memref<72xi32, #tpu.memory_space<vmem>>
      %dma_start3A_153 = arith.constant 0 : i32
      %dma_start3A_154 = arith.constant 0 : i32
      %dma_start3A_155 = tpu.memref_slice %arg14[%dma_start3A_153, %dma_start3A_154] : memref<10112x128xf32, #tpu.memory_space<vmem_shared>> -> memref<10112x128xf32, #tpu.memory_space<vmem_shared>>
      tpu.enqueue_indirect_dma source(%arg12 : memref<72x128xf32, #tpu.memory_space<vmem>>) target(%dma_start3A_155 : memref<10112x128xf32, #tpu.memory_space<vmem_shared>>) offsets(%dma_start3A_152 : memref<72xi32, #tpu.memory_space<vmem>>) semaphore(%arg16 : memref<!tpu.dma_semaphore, #tpu.memory_space<semaphore_mem>>) {add = true}
      %dma_wait3A_156 = arith.constant 4 : i32
      %dma_wait3A_157 = arith.constant 0 : i32
      %dma_wait3A_158 = tpu.memref_slice %arg7[%dma_wait3A_156, %dma_wait3A_157] : memref<10x72xi32, #tpu.memory_space<vmem>> -> memref<1x72xi32, #tpu.memory_space<vmem>>
      %dma_wait3A_159 = tpu.memref_squeeze %dma_wait3A_158 : memref<1x72xi32, #tpu.memory_space<vmem>> -> memref<72xi32, #tpu.memory_space<vmem>>
      %dma_wait3A_160 = arith.constant 0 : i32
      %dma_wait3A_161 = arith.constant 0 : i32
      %dma_wait3A_162 = tpu.memref_slice %arg2[%dma_wait3A_160, %dma_wait3A_161] : memref<20224x128xf32, #tpu.memory_space<hbm>> -> memref<20224x128xf32, #tpu.memory_space<hbm>>
      tpu.wait_indirect_dma semaphore(%arg15 : memref<!tpu.dma_semaphore, #tpu.memory_space<semaphore_mem>>) src(%dma_wait3A_162 : memref<20224x128xf32, #tpu.memory_space<hbm>>) dst(%arg13 : memref<72x128xf32, #tpu.memory_space<vmem>>)
      %dma_wait3A_163 = arith.constant 3 : i32
      %dma_wait3A_164 = arith.constant 0 : i32
      %dma_wait3A_165 = tpu.memref_slice %arg8[%dma_wait3A_163, %dma_wait3A_164] : memref<10x72xi32, #tpu.memory_space<vmem>> -> memref<1x72xi32, #tpu.memory_space<vmem>>
      %dma_wait3A_166 = tpu.memref_squeeze %dma_wait3A_165 : memref<1x72xi32, #tpu.memory_space<vmem>> -> memref<72xi32, #tpu.memory_space<vmem>>
      %dma_wait3A_167 = arith.constant 0 : i32
      %dma_wait3A_168 = arith.constant 0 : i32
      %dma_wait3A_169 = tpu.memref_slice %arg14[%dma_wait3A_167, %dma_wait3A_168] : memref<10112x128xf32, #tpu.memory_space<vmem_shared>> -> memref<10112x128xf32, #tpu.memory_space<vmem_shared>>
      tpu.wait_indirect_dma semaphore(%arg16 : memref<!tpu.dma_semaphore, #tpu.memory_space<semaphore_mem>>) src(%arg12 : memref<72x128xf32, #tpu.memory_space<vmem>>) dst(%dma_wait3A_169 : memref<10112x128xf32, #tpu.memory_space<vmem_shared>>)
      %dma_start3A_170 = arith.constant 8 : i32
      %dma_start3A_171 = arith.constant 0 : i32
      %dma_start3A_172 = tpu.memref_slice %arg7[%dma_start3A_170, %dma_start3A_171] : memref<10x72xi32, #tpu.memory_space<vmem>> -> memref<1x72xi32, #tpu.memory_space<vmem>>
      %dma_start3A_173 = tpu.memref_squeeze %dma_start3A_172 : memref<1x72xi32, #tpu.memory_space<vmem>> -> memref<72xi32, #tpu.memory_space<vmem>>
      %dma_start3A_174 = arith.constant 0 : i32
      %dma_start3A_175 = arith.constant 0 : i32
      %dma_start3A_176 = tpu.memref_slice %arg2[%dma_start3A_174, %dma_start3A_175] : memref<20224x128xf32, #tpu.memory_space<hbm>> -> memref<20224x128xf32, #tpu.memory_space<hbm>>
      tpu.enqueue_indirect_dma source(%dma_start3A_176 : memref<20224x128xf32, #tpu.memory_space<hbm>>) target(%arg12 : memref<72x128xf32, #tpu.memory_space<vmem>>) offsets(%dma_start3A_173 : memref<72xi32, #tpu.memory_space<vmem>>) semaphore(%arg15 : memref<!tpu.dma_semaphore, #tpu.memory_space<semaphore_mem>>)
      %dma_start3A_177 = arith.constant 4 : i32
      %dma_start3A_178 = arith.constant 0 : i32
      %dma_start3A_179 = tpu.memref_slice %arg8[%dma_start3A_177, %dma_start3A_178] : memref<10x72xi32, #tpu.memory_space<vmem>> -> memref<1x72xi32, #tpu.memory_space<vmem>>
      %dma_start3A_180 = tpu.memref_squeeze %dma_start3A_179 : memref<1x72xi32, #tpu.memory_space<vmem>> -> memref<72xi32, #tpu.memory_space<vmem>>
      %dma_start3A_181 = arith.constant 0 : i32
      %dma_start3A_182 = arith.constant 0 : i32
      %dma_start3A_183 = tpu.memref_slice %arg14[%dma_start3A_181, %dma_start3A_182] : memref<10112x128xf32, #tpu.memory_space<vmem_shared>> -> memref<10112x128xf32, #tpu.memory_space<vmem_shared>>
      tpu.enqueue_indirect_dma source(%arg13 : memref<72x128xf32, #tpu.memory_space<vmem>>) target(%dma_start3A_183 : memref<10112x128xf32, #tpu.memory_space<vmem_shared>>) offsets(%dma_start3A_180 : memref<72xi32, #tpu.memory_space<vmem>>) semaphore(%arg16 : memref<!tpu.dma_semaphore, #tpu.memory_space<semaphore_mem>>) {add = true}
      %dma_wait3A_184 = arith.constant 5 : i32
      %dma_wait3A_185 = arith.constant 0 : i32
      %dma_wait3A_186 = tpu.memref_slice %arg7[%dma_wait3A_184, %dma_wait3A_185] : memref<10x72xi32, #tpu.memory_space<vmem>> -> memref<1x72xi32, #tpu.memory_space<vmem>>
      %dma_wait3A_187 = tpu.memref_squeeze %dma_wait3A_186 : memref<1x72xi32, #tpu.memory_space<vmem>> -> memref<72xi32, #tpu.memory_space<vmem>>
      %dma_wait3A_188 = arith.constant 0 : i32
      %dma_wait3A_189 = arith.constant 0 : i32
      %dma_wait3A_190 = tpu.memref_slice %arg2[%dma_wait3A_188, %dma_wait3A_189] : memref<20224x128xf32, #tpu.memory_space<hbm>> -> memref<20224x128xf32, #tpu.memory_space<hbm>>
      tpu.wait_indirect_dma semaphore(%arg15 : memref<!tpu.dma_semaphore, #tpu.memory_space<semaphore_mem>>) src(%dma_wait3A_190 : memref<20224x128xf32, #tpu.memory_space<hbm>>) dst(%arg9 : memref<72x128xf32, #tpu.memory_space<vmem>>)
      %dma_wait3A_191 = arith.constant 4 : i32
      %dma_wait3A_192 = arith.constant 0 : i32
      %dma_wait3A_193 = tpu.memref_slice %arg8[%dma_wait3A_191, %dma_wait3A_192] : memref<10x72xi32, #tpu.memory_space<vmem>> -> memref<1x72xi32, #tpu.memory_space<vmem>>
      %dma_wait3A_194 = tpu.memref_squeeze %dma_wait3A_193 : memref<1x72xi32, #tpu.memory_space<vmem>> -> memref<72xi32, #tpu.memory_space<vmem>>
      %dma_wait3A_195 = arith.constant 0 : i32
      %dma_wait3A_196 = arith.constant 0 : i32
      %dma_wait3A_197 = tpu.memref_slice %arg14[%dma_wait3A_195, %dma_wait3A_196] : memref<10112x128xf32, #tpu.memory_space<vmem_shared>> -> memref<10112x128xf32, #tpu.memory_space<vmem_shared>>
      tpu.wait_indirect_dma semaphore(%arg16 : memref<!tpu.dma_semaphore, #tpu.memory_space<semaphore_mem>>) src(%arg13 : memref<72x128xf32, #tpu.memory_space<vmem>>) dst(%dma_wait3A_197 : memref<10112x128xf32, #tpu.memory_space<vmem_shared>>)
      %dma_start3A_198 = arith.constant 9 : i32
      %dma_start3A_199 = arith.constant 0 : i32
      %dma_start3A_200 = tpu.memref_slice %arg7[%dma_start3A_198, %dma_start3A_199] : memref<10x72xi32, #tpu.memory_space<vmem>> -> memref<1x72xi32, #tpu.memory_space<vmem>>
      %dma_start3A_201 = tpu.memref_squeeze %dma_start3A_200 : memref<1x72xi32, #tpu.memory_space<vmem>> -> memref<72xi32, #tpu.memory_space<vmem>>
      %dma_start3A_202 = arith.constant 0 : i32
      %dma_start3A_203 = arith.constant 0 : i32
      %dma_start3A_204 = tpu.memref_slice %arg2[%dma_start3A_202, %dma_start3A_203] : memref<20224x128xf32, #tpu.memory_space<hbm>> -> memref<20224x128xf32, #tpu.memory_space<hbm>>
      tpu.enqueue_indirect_dma source(%dma_start3A_204 : memref<20224x128xf32, #tpu.memory_space<hbm>>) target(%arg13 : memref<72x128xf32, #tpu.memory_space<vmem>>) offsets(%dma_start3A_201 : memref<72xi32, #tpu.memory_space<vmem>>) semaphore(%arg15 : memref<!tpu.dma_semaphore, #tpu.memory_space<semaphore_mem>>)
      %dma_start3A_205 = arith.constant 5 : i32
      %dma_start3A_206 = arith.constant 0 : i32
      %dma_start3A_207 = tpu.memref_slice %arg8[%dma_start3A_205, %dma_start3A_206] : memref<10x72xi32, #tpu.memory_space<vmem>> -> memref<1x72xi32, #tpu.memory_space<vmem>>
      %dma_start3A_208 = tpu.memref_squeeze %dma_start3A_207 : memref<1x72xi32, #tpu.memory_space<vmem>> -> memref<72xi32, #tpu.memory_space<vmem>>
      %dma_start3A_209 = arith.constant 0 : i32
      %dma_start3A_210 = arith.constant 0 : i32
      %dma_start3A_211 = tpu.memref_slice %arg14[%dma_start3A_209, %dma_start3A_210] : memref<10112x128xf32, #tpu.memory_space<vmem_shared>> -> memref<10112x128xf32, #tpu.memory_space<vmem_shared>>
      tpu.enqueue_indirect_dma source(%arg9 : memref<72x128xf32, #tpu.memory_space<vmem>>) target(%dma_start3A_211 : memref<10112x128xf32, #tpu.memory_space<vmem_shared>>) offsets(%dma_start3A_208 : memref<72xi32, #tpu.memory_space<vmem>>) semaphore(%arg16 : memref<!tpu.dma_semaphore, #tpu.memory_space<semaphore_mem>>) {add = true}
      %dma_wait3A_212 = arith.constant 6 : i32
      %dma_wait3A_213 = arith.constant 0 : i32
      %dma_wait3A_214 = tpu.memref_slice %arg7[%dma_wait3A_212, %dma_wait3A_213] : memref<10x72xi32, #tpu.memory_space<vmem>> -> memref<1x72xi32, #tpu.memory_space<vmem>>
      %dma_wait3A_215 = tpu.memref_squeeze %dma_wait3A_214 : memref<1x72xi32, #tpu.memory_space<vmem>> -> memref<72xi32, #tpu.memory_space<vmem>>
      %dma_wait3A_216 = arith.constant 0 : i32
      %dma_wait3A_217 = arith.constant 0 : i32
      %dma_wait3A_218 = tpu.memref_slice %arg2[%dma_wait3A_216, %dma_wait3A_217] : memref<20224x128xf32, #tpu.memory_space<hbm>> -> memref<20224x128xf32, #tpu.memory_space<hbm>>
      tpu.wait_indirect_dma semaphore(%arg15 : memref<!tpu.dma_semaphore, #tpu.memory_space<semaphore_mem>>) src(%dma_wait3A_218 : memref<20224x128xf32, #tpu.memory_space<hbm>>) dst(%arg10 : memref<72x128xf32, #tpu.memory_space<vmem>>)
      %dma_wait3A_219 = arith.constant 5 : i32
      %dma_wait3A_220 = arith.constant 0 : i32
      %dma_wait3A_221 = tpu.memref_slice %arg8[%dma_wait3A_219, %dma_wait3A_220] : memref<10x72xi32, #tpu.memory_space<vmem>> -> memref<1x72xi32, #tpu.memory_space<vmem>>
      %dma_wait3A_222 = tpu.memref_squeeze %dma_wait3A_221 : memref<1x72xi32, #tpu.memory_space<vmem>> -> memref<72xi32, #tpu.memory_space<vmem>>
      %dma_wait3A_223 = arith.constant 0 : i32
      %dma_wait3A_224 = arith.constant 0 : i32
      %dma_wait3A_225 = tpu.memref_slice %arg14[%dma_wait3A_223, %dma_wait3A_224] : memref<10112x128xf32, #tpu.memory_space<vmem_shared>> -> memref<10112x128xf32, #tpu.memory_space<vmem_shared>>
      tpu.wait_indirect_dma semaphore(%arg16 : memref<!tpu.dma_semaphore, #tpu.memory_space<semaphore_mem>>) src(%arg9 : memref<72x128xf32, #tpu.memory_space<vmem>>) dst(%dma_wait3A_225 : memref<10112x128xf32, #tpu.memory_space<vmem_shared>>)
      %dma_start3A_226 = arith.constant 6 : i32
      %dma_start3A_227 = arith.constant 0 : i32
      %dma_start3A_228 = tpu.memref_slice %arg8[%dma_start3A_226, %dma_start3A_227] : memref<10x72xi32, #tpu.memory_space<vmem>> -> memref<1x72xi32, #tpu.memory_space<vmem>>
      %dma_start3A_229 = tpu.memref_squeeze %dma_start3A_228 : memref<1x72xi32, #tpu.memory_space<vmem>> -> memref<72xi32, #tpu.memory_space<vmem>>
      %dma_start3A_230 = arith.constant 0 : i32
      %dma_start3A_231 = arith.constant 0 : i32
      %dma_start3A_232 = tpu.memref_slice %arg14[%dma_start3A_230, %dma_start3A_231] : memref<10112x128xf32, #tpu.memory_space<vmem_shared>> -> memref<10112x128xf32, #tpu.memory_space<vmem_shared>>
      tpu.enqueue_indirect_dma source(%arg10 : memref<72x128xf32, #tpu.memory_space<vmem>>) target(%dma_start3A_232 : memref<10112x128xf32, #tpu.memory_space<vmem_shared>>) offsets(%dma_start3A_229 : memref<72xi32, #tpu.memory_space<vmem>>) semaphore(%arg16 : memref<!tpu.dma_semaphore, #tpu.memory_space<semaphore_mem>>) {add = true}
      %dma_wait3A_233 = arith.constant 7 : i32
      %dma_wait3A_234 = arith.constant 0 : i32
      %dma_wait3A_235 = tpu.memref_slice %arg7[%dma_wait3A_233, %dma_wait3A_234] : memref<10x72xi32, #tpu.memory_space<vmem>> -> memref<1x72xi32, #tpu.memory_space<vmem>>
      %dma_wait3A_236 = tpu.memref_squeeze %dma_wait3A_235 : memref<1x72xi32, #tpu.memory_space<vmem>> -> memref<72xi32, #tpu.memory_space<vmem>>
      %dma_wait3A_237 = arith.constant 0 : i32
      %dma_wait3A_238 = arith.constant 0 : i32
      %dma_wait3A_239 = tpu.memref_slice %arg2[%dma_wait3A_237, %dma_wait3A_238] : memref<20224x128xf32, #tpu.memory_space<hbm>> -> memref<20224x128xf32, #tpu.memory_space<hbm>>
      tpu.wait_indirect_dma semaphore(%arg15 : memref<!tpu.dma_semaphore, #tpu.memory_space<semaphore_mem>>) src(%dma_wait3A_239 : memref<20224x128xf32, #tpu.memory_space<hbm>>) dst(%arg11 : memref<72x128xf32, #tpu.memory_space<vmem>>)
      %dma_wait3A_240 = arith.constant 6 : i32
      %dma_wait3A_241 = arith.constant 0 : i32
      %dma_wait3A_242 = tpu.memref_slice %arg8[%dma_wait3A_240, %dma_wait3A_241] : memref<10x72xi32, #tpu.memory_space<vmem>> -> memref<1x72xi32, #tpu.memory_space<vmem>>
      %dma_wait3A_243 = tpu.memref_squeeze %dma_wait3A_242 : memref<1x72xi32, #tpu.memory_space<vmem>> -> memref<72xi32, #tpu.memory_space<vmem>>
      %dma_wait3A_244 = arith.constant 0 : i32
      %dma_wait3A_245 = arith.constant 0 : i32
      %dma_wait3A_246 = tpu.memref_slice %arg14[%dma_wait3A_244, %dma_wait3A_245] : memref<10112x128xf32, #tpu.memory_space<vmem_shared>> -> memref<10112x128xf32, #tpu.memory_space<vmem_shared>>
      tpu.wait_indirect_dma semaphore(%arg16 : memref<!tpu.dma_semaphore, #tpu.memory_space<semaphore_mem>>) src(%arg10 : memref<72x128xf32, #tpu.memory_space<vmem>>) dst(%dma_wait3A_246 : memref<10112x128xf32, #tpu.memory_space<vmem_shared>>)
      %dma_start3A_247 = arith.constant 7 : i32
      %dma_start3A_248 = arith.constant 0 : i32
      %dma_start3A_249 = tpu.memref_slice %arg8[%dma_start3A_247, %dma_start3A_248] : memref<10x72xi32, #tpu.memory_space<vmem>> -> memref<1x72xi32, #tpu.memory_space<vmem>>
      %dma_start3A_250 = tpu.memref_squeeze %dma_start3A_249 : memref<1x72xi32, #tpu.memory_space<vmem>> -> memref<72xi32, #tpu.memory_space<vmem>>
      %dma_start3A_251 = arith.constant 0 : i32
      %dma_start3A_252 = arith.constant 0 : i32
      %dma_start3A_253 = tpu.memref_slice %arg14[%dma_start3A_251, %dma_start3A_252] : memref<10112x128xf32, #tpu.memory_space<vmem_shared>> -> memref<10112x128xf32, #tpu.memory_space<vmem_shared>>
      tpu.enqueue_indirect_dma source(%arg11 : memref<72x128xf32, #tpu.memory_space<vmem>>) target(%dma_start3A_253 : memref<10112x128xf32, #tpu.memory_space<vmem_shared>>) offsets(%dma_start3A_250 : memref<72xi32, #tpu.memory_space<vmem>>) semaphore(%arg16 : memref<!tpu.dma_semaphore, #tpu.memory_space<semaphore_mem>>) {add = true}
      %dma_wait3A_254 = arith.constant 8 : i32
      %dma_wait3A_255 = arith.constant 0 : i32
      %dma_wait3A_256 = tpu.memref_slice %arg7[%dma_wait3A_254, %dma_wait3A_255] : memref<10x72xi32, #tpu.memory_space<vmem>> -> memref<1x72xi32, #tpu.memory_space<vmem>>
      %dma_wait3A_257 = tpu.memref_squeeze %dma_wait3A_256 : memref<1x72xi32, #tpu.memory_space<vmem>> -> memref<72xi32, #tpu.memory_space<vmem>>
      %dma_wait3A_258 = arith.constant 0 : i32
      %dma_wait3A_259 = arith.constant 0 : i32
      %dma_wait3A_260 = tpu.memref_slice %arg2[%dma_wait3A_258, %dma_wait3A_259] : memref<20224x128xf32, #tpu.memory_space<hbm>> -> memref<20224x128xf32, #tpu.memory_space<hbm>>
      tpu.wait_indirect_dma semaphore(%arg15 : memref<!tpu.dma_semaphore, #tpu.memory_space<semaphore_mem>>) src(%dma_wait3A_260 : memref<20224x128xf32, #tpu.memory_space<hbm>>) dst(%arg12 : memref<72x128xf32, #tpu.memory_space<vmem>>)
      %dma_wait3A_261 = arith.constant 7 : i32
      %dma_wait3A_262 = arith.constant 0 : i32
      %dma_wait3A_263 = tpu.memref_slice %arg8[%dma_wait3A_261, %dma_wait3A_262] : memref<10x72xi32, #tpu.memory_space<vmem>> -> memref<1x72xi32, #tpu.memory_space<vmem>>
      %dma_wait3A_264 = tpu.memref_squeeze %dma_wait3A_263 : memref<1x72xi32, #tpu.memory_space<vmem>> -> memref<72xi32, #tpu.memory_space<vmem>>
      %dma_wait3A_265 = arith.constant 0 : i32
      %dma_wait3A_266 = arith.constant 0 : i32
      %dma_wait3A_267 = tpu.memref_slice %arg14[%dma_wait3A_265, %dma_wait3A_266] : memref<10112x128xf32, #tpu.memory_space<vmem_shared>> -> memref<10112x128xf32, #tpu.memory_space<vmem_shared>>
      tpu.wait_indirect_dma semaphore(%arg16 : memref<!tpu.dma_semaphore, #tpu.memory_space<semaphore_mem>>) src(%arg11 : memref<72x128xf32, #tpu.memory_space<vmem>>) dst(%dma_wait3A_267 : memref<10112x128xf32, #tpu.memory_space<vmem_shared>>)
      %dma_start3A_268 = arith.constant 8 : i32
      %dma_start3A_269 = arith.constant 0 : i32
      %dma_start3A_270 = tpu.memref_slice %arg8[%dma_start3A_268, %dma_start3A_269] : memref<10x72xi32, #tpu.memory_space<vmem>> -> memref<1x72xi32, #tpu.memory_space<vmem>>
      %dma_start3A_271 = tpu.memref_squeeze %dma_start3A_270 : memref<1x72xi32, #tpu.memory_space<vmem>> -> memref<72xi32, #tpu.memory_space<vmem>>
      %dma_start3A_272 = arith.constant 0 : i32
      %dma_start3A_273 = arith.constant 0 : i32
      %dma_start3A_274 = tpu.memref_slice %arg14[%dma_start3A_272, %dma_start3A_273] : memref<10112x128xf32, #tpu.memory_space<vmem_shared>> -> memref<10112x128xf32, #tpu.memory_space<vmem_shared>>
      tpu.enqueue_indirect_dma source(%arg12 : memref<72x128xf32, #tpu.memory_space<vmem>>) target(%dma_start3A_274 : memref<10112x128xf32, #tpu.memory_space<vmem_shared>>) offsets(%dma_start3A_271 : memref<72xi32, #tpu.memory_space<vmem>>) semaphore(%arg16 : memref<!tpu.dma_semaphore, #tpu.memory_space<semaphore_mem>>) {add = true}
      %dma_wait3A_275 = arith.constant 9 : i32
      %dma_wait3A_276 = arith.constant 0 : i32
      %dma_wait3A_277 = tpu.memref_slice %arg7[%dma_wait3A_275, %dma_wait3A_276] : memref<10x72xi32, #tpu.memory_space<vmem>> -> memref<1x72xi32, #tpu.memory_space<vmem>>
      %dma_wait3A_278 = tpu.memref_squeeze %dma_wait3A_277 : memref<1x72xi32, #tpu.memory_space<vmem>> -> memref<72xi32, #tpu.memory_space<vmem>>
      %dma_wait3A_279 = arith.constant 0 : i32
      %dma_wait3A_280 = arith.constant 0 : i32
      %dma_wait3A_281 = tpu.memref_slice %arg2[%dma_wait3A_279, %dma_wait3A_280] : memref<20224x128xf32, #tpu.memory_space<hbm>> -> memref<20224x128xf32, #tpu.memory_space<hbm>>
      tpu.wait_indirect_dma semaphore(%arg15 : memref<!tpu.dma_semaphore, #tpu.memory_space<semaphore_mem>>) src(%dma_wait3A_281 : memref<20224x128xf32, #tpu.memory_space<hbm>>) dst(%arg13 : memref<72x128xf32, #tpu.memory_space<vmem>>)
      %dma_wait3A_282 = arith.constant 8 : i32
      %dma_wait3A_283 = arith.constant 0 : i32
      %dma_wait3A_284 = tpu.memref_slice %arg8[%dma_wait3A_282, %dma_wait3A_283] : memref<10x72xi32, #tpu.memory_space<vmem>> -> memref<1x72xi32, #tpu.memory_space<vmem>>
      %dma_wait3A_285 = tpu.memref_squeeze %dma_wait3A_284 : memref<1x72xi32, #tpu.memory_space<vmem>> -> memref<72xi32, #tpu.memory_space<vmem>>
      %dma_wait3A_286 = arith.constant 0 : i32
      %dma_wait3A_287 = arith.constant 0 : i32
      %dma_wait3A_288 = tpu.memref_slice %arg14[%dma_wait3A_286, %dma_wait3A_287] : memref<10112x128xf32, #tpu.memory_space<vmem_shared>> -> memref<10112x128xf32, #tpu.memory_space<vmem_shared>>
      tpu.wait_indirect_dma semaphore(%arg16 : memref<!tpu.dma_semaphore, #tpu.memory_space<semaphore_mem>>) src(%arg12 : memref<72x128xf32, #tpu.memory_space<vmem>>) dst(%dma_wait3A_288 : memref<10112x128xf32, #tpu.memory_space<vmem_shared>>)
      %dma_start3A_289 = arith.constant 9 : i32
      %dma_start3A_290 = arith.constant 0 : i32
      %dma_start3A_291 = tpu.memref_slice %arg8[%dma_start3A_289, %dma_start3A_290] : memref<10x72xi32, #tpu.memory_space<vmem>> -> memref<1x72xi32, #tpu.memory_space<vmem>>
      %dma_start3A_292 = tpu.memref_squeeze %dma_start3A_291 : memref<1x72xi32, #tpu.memory_space<vmem>> -> memref<72xi32, #tpu.memory_space<vmem>>
      %dma_start3A_293 = arith.constant 0 : i32
      %dma_start3A_294 = arith.constant 0 : i32
      %dma_start3A_295 = tpu.memref_slice %arg14[%dma_start3A_293, %dma_start3A_294] : memref<10112x128xf32, #tpu.memory_space<vmem_shared>> -> memref<10112x128xf32, #tpu.memory_space<vmem_shared>>
      tpu.enqueue_indirect_dma source(%arg13 : memref<72x128xf32, #tpu.memory_space<vmem>>) target(%dma_start3A_295 : memref<10112x128xf32, #tpu.memory_space<vmem_shared>>) offsets(%dma_start3A_292 : memref<72xi32, #tpu.memory_space<vmem>>) semaphore(%arg16 : memref<!tpu.dma_semaphore, #tpu.memory_space<semaphore_mem>>) {add = true}
      %dma_wait3A_296 = arith.constant 9 : i32
      %dma_wait3A_297 = arith.constant 0 : i32
      %dma_wait3A_298 = tpu.memref_slice %arg8[%dma_wait3A_296, %dma_wait3A_297] : memref<10x72xi32, #tpu.memory_space<vmem>> -> memref<1x72xi32, #tpu.memory_space<vmem>>
      %dma_wait3A_299 = tpu.memref_squeeze %dma_wait3A_298 : memref<1x72xi32, #tpu.memory_space<vmem>> -> memref<72xi32, #tpu.memory_space<vmem>>
      %dma_wait3A_300 = arith.constant 0 : i32
      %dma_wait3A_301 = arith.constant 0 : i32
      %dma_wait3A_302 = tpu.memref_slice %arg14[%dma_wait3A_300, %dma_wait3A_301] : memref<10112x128xf32, #tpu.memory_space<vmem_shared>> -> memref<10112x128xf32, #tpu.memory_space<vmem_shared>>
      tpu.wait_indirect_dma semaphore(%arg16 : memref<!tpu.dma_semaphore, #tpu.memory_space<semaphore_mem>>) src(%arg13 : memref<72x128xf32, #tpu.memory_space<vmem>>) dst(%dma_wait3A_302 : memref<10112x128xf32, #tpu.memory_space<vmem_shared>>)
    }
    %scan3A_9 = arith.constant 28 : i32
    %barrier3A_10 = arith.constant 0 : index
    tpu.barrier barrier_id(%barrier3A_10)
    %mul3A_11 = arith.constant 632 : i32
    %mul3A_12 = arith.muli %arg1, %mul3A_11 : i32
    %mul3A_13 = arith.constant 10112 : i32
    %mul3A_14 = arith.muli %arg0, %mul3A_13 : i32
    %mul3A_15 = arith.constant 632 : i32
    %mul3A_16 = arith.muli %arg1, %mul3A_15 : i32
    %add3A_17 = arith.addi %mul3A_14, %mul3A_16 : i32
    "tpu.region"() ({
      %run_scoped3A = tpu.sem_alloc : memref<!tpu.dma_semaphore, #tpu.memory_space<semaphore_mem>>
      %dma_start3A = arith.constant 0 : i32
      %dma_start3A_18 = tpu.memref_slice %arg6[%add3A_17, %dma_start3A] : memref<20224x128xf32, #tpu.memory_space<hbm>> -> memref<632x128xf32, #tpu.memory_space<hbm>>
      %dma_start3A_19 = arith.constant 0 : i32
      %dma_start3A_20 = tpu.memref_slice %arg14[%mul3A_12, %dma_start3A_19] : memref<10112x128xf32, #tpu.memory_space<vmem_shared>> -> memref<632x128xf32, #tpu.memory_space<vmem_shared>>
      tpu.enqueue_dma source(%dma_start3A_20 : memref<632x128xf32, #tpu.memory_space<vmem_shared>>) target(%dma_start3A_18 : memref<632x128xf32, #tpu.memory_space<hbm>>) target_semaphore(%run_scoped3A : memref<!tpu.dma_semaphore, #tpu.memory_space<semaphore_mem>>)
      %dma_wait3A = arith.constant 0 : i32
      %dma_wait3A_21 = tpu.memref_slice %arg6[%add3A_17, %dma_wait3A] : memref<20224x128xf32, #tpu.memory_space<hbm>> -> memref<632x128xf32, #tpu.memory_space<hbm>>
      %dma_wait3A_22 = arith.constant 0 : i32
      %dma_wait3A_23 = tpu.memref_slice %arg14[%mul3A_12, %dma_wait3A_22] : memref<10112x128xf32, #tpu.memory_space<vmem_shared>> -> memref<632x128xf32, #tpu.memory_space<vmem_shared>>
      tpu.wait_dma2 semaphore(%run_scoped3A : memref<!tpu.dma_semaphore, #tpu.memory_space<semaphore_mem>>) src(%dma_wait3A_23 : memref<632x128xf32, #tpu.memory_space<vmem_shared>>) dst(%dma_wait3A_21 : memref<632x128xf32, #tpu.memory_space<hbm>>)
      tpu.yield
    }) : () -> ()
    return
  }
}

module attributes {stable_mosaic.version = 14 : i64} {
  func.func @_prep_body(%arg0: i32, %arg1: memref<1000x128xf32, #tpu.memory_space<vmem>>, %arg2: memref<1000x128xf32, #tpu.memory_space<vmem>>, %arg3: memref<1000x128xf32, #tpu.memory_space<vmem>>) attributes {dimension_semantics = [#tpu.dimension_semantics<arbitrary>], iteration_bounds = array<i64: 10>, scalar_prefetch = 0 : i64, scratch_operands = 0 : i64, tpu.core_type = #tpu.core_type<tc>, window_params = [{transform_indices = @transform_0, window_bounds = array<i64: 1000, 128>}, {transform_indices = @transform_1, window_bounds = array<i64: 1000, 128>}, {transform_indices = @transform_2, window_bounds = array<i64: 1000, 128>}]} {
    %get3A = arith.constant 0 : index
    %get3A_0 = arith.constant 0 : index
    %get3A_1 = vector.load %arg1[%get3A, %get3A_0] : memref<1000x128xf32, #tpu.memory_space<vmem>>, vector<1000x128xf32>
    %abs3A = math.absf %get3A_1 : vector<1000x128xf32>
    %log3A = math.log %abs3A : vector<1000x128xf32>
    %swap3A = arith.constant 0 : index
    %swap3A_2 = arith.constant 0 : index
    %swap3A_3 = vector.load %arg2[%swap3A, %swap3A_2] : memref<1000x128xf32, #tpu.memory_space<vmem>>, vector<1000x128xf32>
    tpu.vector_store %arg2[%swap3A, %swap3A_2], %log3A {strides = array<i32>} : memref<1000x128xf32, #tpu.memory_space<vmem>>, vector<1000x128xf32>,
    %lt3A = arith.constant 0.000000e+00 : f32
    %lt3A_4 = vector.broadcast %lt3A : f32 to vector<1000x128xf32>
    %lt3A_5 = arith.cmpf olt, %get3A_1, %lt3A_4 : vector<1000x128xf32>
    %convert_element_type3A = arith.extui %lt3A_5 : vector<1000x128xi1> to vector<1000x128xi32>
    %convert_element_type3A_6 = arith.sitofp %convert_element_type3A : vector<1000x128xi32> to vector<1000x128xf32>
    %swap3A_7 = arith.constant 0 : index
    %swap3A_8 = arith.constant 0 : index
    %swap3A_9 = vector.load %arg3[%swap3A_7, %swap3A_8] : memref<1000x128xf32, #tpu.memory_space<vmem>>, vector<1000x128xf32>
    tpu.vector_store %arg3[%swap3A_7, %swap3A_8], %convert_element_type3A_6 {strides = array<i32>} : memref<1000x128xf32, #tpu.memory_space<vmem>>, vector<1000x128xf32>,
    return
  }
  func.func @transform_0(%arg0: i32) -> (i32, i32) {
    %c0_i32 = arith.constant 0 : i32
    %c0_i32_0 = arith.constant 0 : i32
    return %arg0, %c0_i32 : i32, i32
  }
  func.func @transform_1(%arg0: i32) -> (i32, i32) {
    %c0_i32 = arith.constant 0 : i32
    %c0_i32_0 = arith.constant 0 : i32
    return %arg0, %c0_i32 : i32, i32
  }
  func.func @transform_2(%arg0: i32) -> (i32, i32) {
    %c0_i32 = arith.constant 0 : i32
    %c0_i32_0 = arith.constant 0 : i32
    return %arg0, %c0_i32 : i32, i32
  }
}

module attributes {stable_mosaic.version = 14 : i64} {
  func.func @_h1_body(%arg0: i32, %arg1: memref<1000x128xf32, #tpu.memory_space<vmem>>, %arg2: memref<128x128xf32, #tpu.memory_space<vmem>>, %arg3: memref<1x128xf32, #tpu.memory_space<vmem>>, %arg4: memref<1000x128xf32, #tpu.memory_space<vmem>>) attributes {dimension_semantics = [#tpu.dimension_semantics<arbitrary>], iteration_bounds = array<i64: 10>, scalar_prefetch = 0 : i64, scratch_operands = 0 : i64, tpu.core_type = #tpu.core_type<tc>, window_params = [{transform_indices = @transform_0, window_bounds = array<i64: 1000, 128>}, {pipeline_mode = #tpu.pipeline_mode<synchronous>, transform_indices = @transform_1, window_bounds = array<i64: 128, 128>}, {pipeline_mode = #tpu.pipeline_mode<synchronous>, transform_indices = @transform_2, window_bounds = array<i64: 1, 128>}, {transform_indices = @transform_3, window_bounds = array<i64: 1000, 128>}]} {
    %get3A = arith.constant 0 : index
    %get3A_0 = arith.constant 0 : index
    %get3A_1 = vector.load %arg1[%get3A, %get3A_0] : memref<1000x128xf32, #tpu.memory_space<vmem>>, vector<1000x128xf32>
    %get3A_2 = arith.constant 0 : index
    %get3A_3 = arith.constant 0 : index
    %get3A_4 = vector.load %arg2[%get3A_2, %get3A_3] : memref<128x128xf32, #tpu.memory_space<vmem>>, vector<128x128xf32>
    %dot_general3A = arith.constant dense<0.000000e+00> : vector<1000x128xf32>
    %dot_general3A_5 = tpu.matmul %get3A_1, %get3A_4, %dot_general3A {dimension_numbers = #tpu.dot_dimension_numbers<[1], [0], [0], [1], [0, 0, 1, 1], [], []>, transpose_lhs_hint = false} : vector<1000x128xf32>, vector<128x128xf32>, vector<1000x128xf32> -> vector<1000x128xf32>
    %get3A_6 = arith.constant 0 : index
    %get3A_7 = arith.constant 0 : index
    %get3A_8 = vector.load %arg3[%get3A_6, %get3A_7] : memref<1x128xf32, #tpu.memory_space<vmem>>, vector<1x128xf32>
    %add3A = vector.broadcast %get3A_8 : vector<1x128xf32> to vector<1000x128xf32>
    %add3A_9 = arith.addf %dot_general3A_5, %add3A : vector<1000x128xf32>
    %swap3A = arith.constant 0 : index
    %swap3A_10 = arith.constant 0 : index
    %swap3A_11 = vector.load %arg4[%swap3A, %swap3A_10] : memref<1000x128xf32, #tpu.memory_space<vmem>>, vector<1000x128xf32>
    tpu.vector_store %arg4[%swap3A, %swap3A_10], %add3A_9 {strides = array<i32>} : memref<1000x128xf32, #tpu.memory_space<vmem>>, vector<1000x128xf32>,
    return
  }
  func.func @transform_0(%arg0: i32) -> (i32, i32) {
    %c0_i32 = arith.constant 0 : i32
    %c0_i32_0 = arith.constant 0 : i32
    return %arg0, %c0_i32 : i32, i32
  }
  func.func @transform_1(%arg0: i32) -> (i32, i32) {
    %c0_i32 = arith.constant 0 : i32
    %c0_i32_0 = arith.constant 0 : i32
    %c0_i32_1 = arith.constant 0 : i32
    return %c0_i32, %c0_i32_0 : i32, i32
  }
  func.func @transform_2(%arg0: i32) -> (i32, i32) {
    %c0_i32 = arith.constant 0 : i32
    %c0_i32_0 = arith.constant 0 : i32
    %c0_i32_1 = arith.constant 0 : i32
    return %c0_i32, %c0_i32_0 : i32, i32
  }
  func.func @transform_3(%arg0: i32) -> (i32, i32) {
    %c0_i32 = arith.constant 0 : i32
    %c0_i32_0 = arith.constant 0 : i32
    return %arg0, %c0_i32 : i32, i32
  }
}

module attributes {stable_mosaic.version = 14 : i64} {
  func.func @_post_body(%arg0: i32, %arg1: memref<1000x128xf32, #tpu.memory_space<vmem>>, %arg2: memref<1000x128xf32, #tpu.memory_space<vmem>>, %arg3: memref<1000x128xf32, #tpu.memory_space<vmem>>, %arg4: memref<128x128xf32, #tpu.memory_space<vmem>>, %arg5: memref<1x128xf32, #tpu.memory_space<vmem>>, %arg6: memref<1000x128xf32, #tpu.memory_space<vmem>>) attributes {dimension_semantics = [#tpu.dimension_semantics<arbitrary>], iteration_bounds = array<i64: 10>, scalar_prefetch = 0 : i64, scratch_operands = 0 : i64, tpu.core_type = #tpu.core_type<tc>, window_params = [{transform_indices = @transform_0, window_bounds = array<i64: 1000, 128>}, {transform_indices = @transform_1, window_bounds = array<i64: 1000, 128>}, {transform_indices = @transform_2, window_bounds = array<i64: 1000, 128>}, {pipeline_mode = #tpu.pipeline_mode<synchronous>, transform_indices = @transform_3, window_bounds = array<i64: 128, 128>}, {pipeline_mode = #tpu.pipeline_mode<synchronous>, transform_indices = @transform_4, window_bounds = array<i64: 1, 128>}, {transform_indices = @transform_5, window_bounds = array<i64: 1000, 128>}]} {
    %get3A = arith.constant 0 : index
    %get3A_0 = arith.constant 0 : index
    %get3A_1 = vector.load %arg3[%get3A, %get3A_0] : memref<1000x128xf32, #tpu.memory_space<vmem>>, vector<1000x128xf32>
    %mul3A = arith.constant 5.000000e-01 : f32
    %mul3A_2 = vector.broadcast %mul3A : f32 to vector<1000x128xf32>
    %mul3A_3 = arith.mulf %get3A_1, %mul3A_2 : vector<1000x128xf32>
    %floor3A = math.floor %mul3A_3 : vector<1000x128xf32>
    %mul3A_4 = arith.constant 2.000000e+00 : f32
    %mul3A_5 = vector.broadcast %mul3A_4 : f32 to vector<1000x128xf32>
    %mul3A_6 = arith.mulf %mul3A_5, %floor3A : vector<1000x128xf32>
    %sub3A = arith.subf %get3A_1, %mul3A_6 : vector<1000x128xf32>
    %mul3A_7 = arith.constant 2.000000e+00 : f32
    %mul3A_8 = vector.broadcast %mul3A_7 : f32 to vector<1000x128xf32>
    %mul3A_9 = arith.mulf %mul3A_8, %sub3A : vector<1000x128xf32>
    %sub3A_10 = arith.constant 1.000000e+00 : f32
    %sub3A_11 = vector.broadcast %sub3A_10 : f32 to vector<1000x128xf32>
    %sub3A_12 = arith.subf %sub3A_11, %mul3A_9 : vector<1000x128xf32>
    %get3A_13 = arith.constant 0 : index
    %get3A_14 = arith.constant 0 : index
    %get3A_15 = vector.load %arg2[%get3A_13, %get3A_14] : memref<1000x128xf32, #tpu.memory_space<vmem>>, vector<1000x128xf32>
    %exp3A = math.exp %get3A_15 : vector<1000x128xf32>
    %mul3A_16 = arith.mulf %sub3A_12, %exp3A : vector<1000x128xf32>
    %get3A_17 = arith.constant 0 : index
    %get3A_18 = arith.constant 0 : index
    %get3A_19 = vector.load %arg4[%get3A_17, %get3A_18] : memref<128x128xf32, #tpu.memory_space<vmem>>, vector<128x128xf32>
    %dot_general3A = arith.constant dense<0.000000e+00> : vector<1000x128xf32>
    %dot_general3A_20 = tpu.matmul %mul3A_16, %get3A_19, %dot_general3A {dimension_numbers = #tpu.dot_dimension_numbers<[1], [0], [0], [1], [0, 0, 1, 1], [], []>, transpose_lhs_hint = false} : vector<1000x128xf32>, vector<128x128xf32>, vector<1000x128xf32> -> vector<1000x128xf32>
    %get3A_21 = arith.constant 0 : index
    %get3A_22 = arith.constant 0 : index
    %get3A_23 = vector.load %arg5[%get3A_21, %get3A_22] : memref<1x128xf32, #tpu.memory_space<vmem>>, vector<1x128xf32>
    %add3A = vector.broadcast %get3A_23 : vector<1x128xf32> to vector<1000x128xf32>
    %add3A_24 = arith.addf %dot_general3A_20, %add3A : vector<1000x128xf32>
    %get3A_25 = arith.constant 0 : index
    %get3A_26 = arith.constant 0 : index
    %get3A_27 = vector.load %arg1[%get3A_25, %get3A_26] : memref<1000x128xf32, #tpu.memory_space<vmem>>, vector<1000x128xf32>
    %mul3A_28 = arith.mulf %get3A_27, %add3A_24 : vector<1000x128xf32>
    %swap3A = arith.constant 0 : index
    %swap3A_29 = arith.constant 0 : index
    %swap3A_30 = vector.load %arg6[%swap3A, %swap3A_29] : memref<1000x128xf32, #tpu.memory_space<vmem>>, vector<1000x128xf32>
    tpu.vector_store %arg6[%swap3A, %swap3A_29], %mul3A_28 {strides = array<i32>} : memref<1000x128xf32, #tpu.memory_space<vmem>>, vector<1000x128xf32>,
    return
  }
  func.func @transform_0(%arg0: i32) -> (i32, i32) {
    %c0_i32 = arith.constant 0 : i32
    %c0_i32_0 = arith.constant 0 : i32
    return %arg0, %c0_i32 : i32, i32
  }
  func.func @transform_1(%arg0: i32) -> (i32, i32) {
    %c0_i32 = arith.constant 0 : i32
    %c0_i32_0 = arith.constant 0 : i32
    return %arg0, %c0_i32 : i32, i32
  }
  func.func @transform_2(%arg0: i32) -> (i32, i32) {
    %c0_i32 = arith.constant 0 : i32
    %c0_i32_0 = arith.constant 0 : i32
    return %arg0, %c0_i32 : i32, i32
  }
  func.func @transform_3(%arg0: i32) -> (i32, i32) {
    %c0_i32 = arith.constant 0 : i32
    %c0_i32_0 = arith.constant 0 : i32
    %c0_i32_1 = arith.constant 0 : i32
    return %c0_i32, %c0_i32_0 : i32, i32
  }
  func.func @transform_4(%arg0: i32) -> (i32, i32) {
    %c0_i32 = arith.constant 0 : i32
    %c0_i32_0 = arith.constant 0 : i32
    %c0_i32_1 = arith.constant 0 : i32
    return %c0_i32, %c0_i32_0 : i32, i32
  }
  func.func @transform_5(%arg0: i32) -> (i32, i32) {
    %c0_i32 = arith.constant 0 : i32
    %c0_i32_0 = arith.constant 0 : i32
    return %arg0, %c0_i32 : i32, i32
  }
}

</mosaic_0001>

<sc_bundles>
// kernel: kernel.6.cloned.1.call-start
scs
__scs_entry_jumppad:
0x0: {  	(pc) =	sbr.rel $0x88, $3  }
0x1: {  	(tag) =	ssettag $0x0;
	lr =	simm.s32 $0x1  }
0x2: {  	[smem:$0x3F9B] =	sst lr;
	_ =	strace $0xD0000000  }
0x3: {  	_ = 	snop  }
0x4: {  	_ = 	snop  }
0x5: {  	_ = 	snop  }
0x6: {  	_ = 	snop  }
0x7: {  	_ = 	snop  }
__scs_overlays_trampoline_lowered:
0x8: {  	[smem:$0x3FAA] =	sst s0  }
0x9: {  	[smem:$0x3FAB] =	sst s1  }
0xa: {  	[smem:$0x3FAC] =	sst s2  }
0xb: {  	[smem:$0x3FAD] =	sst s3  }
0xc: {  	[smem:$0x3FAE] =	sst s4  }
0xd: {  	[smem:$0x3FAF] =	sst s5  }
0xe: {  	[smem:$0x3FB0] =	sst s6  }
0xf: {  	[smem:$0x3FB1] =	sst s7  }
0x10: {  	[smem:$0x3FB2] =	sst s8  }
0x11: {  	[smem:$0x3FB3] =	sst s9;
	s0 =	simm.s32 @!p0 $0x0  }
0x12: {  	s1 =	sld [smem:$0x3F99];
	s0 =	simm.s32 @p0 $0x1  }
0x13: {  	[smem:$0x3FB4] =	sst s0;
	s0 =	simm.s32 @!p1 $0x0  }
0x14: {  	s2 =	sld [smem:$0x3F98];
	s0 =	simm.s32 @p1 $0x1  }
0x15: {  	[smem:$0x3FB5] =	sst s0;
	s0 =	simm.s32 @!p2 $0x0  }
0x16: {  	s3 =	sld [smem:$0x3FDB];
	s0 =	simm.s32 @p2 $0x1  }
0x17: {  	s4 =	simm.s32 $0x1BF5;
	[smem:$0x3FB7] =	sst s0  }
0x18: {  	s0 =	sld [smem:$0x3F9A];
	_ =	swait.ge [sflag:s4], $0x0  }
0x19: {  	s7 =	sld [smem:$0x3F9B]  }
0x1a: {  	s8 =	sadd.s32 $0xFFFFE003, lr  }
0x1b: {  	s9 =	sadd.s32 $0xFFFFFEF7, lr;
	s5 =	simm.s32 $0xFFFFFFFF;
	p2 =	slt.u32 s8, $0xFFFFF086  }
0x1c: {  	p1 =	slt.u32 s9, $0xF7A;
	s5 =	simm.s32 @!p2 $0x0  }
0x1d: {  	s5 =	simm.s32 @p1 $0x1;
	p0 =	seq.s32 s7, s2  }
0x1e: {  	s7 =	smul.u32 @!p0 $0xF7A, s2;
	p2 =	seq.s32 @!p0 s5, $0x0  }
0x1f: {  	s9 =	smul.u32 $0xF7A, s1;
	s8 =	simm.s32 @!p0 $0x1BF5;
	p2 =	por !p2, p0  }
0x20: {  	[sflag:s8] =	ssyncset.s32 @!p0 $0xFFFFF086;
	s6 =	sadd.s32 @!p0 s3, s7;
	s7 =	simm.s32 @!p0 $0x108  }
0x21: {  	s3 =	sadd.s32 s3, s9;
	s6 =	sadd.s32 @!p0 $0x88, s6;
	s7 =	simm.s32 @p2 $0x1082  }
0x22: {  	[simem:s7], [sflag:s8] =	dma.local @!p0 [hbm:s6], $0xF7A  }
0x23: {  	s9 =	sor.u32 $0xD0000000, s2;
	s6 =	simm.s32 $0x108;
	_ =	swait.ge @!p0 [sflag:s8], $0x0  }
0x24: {  	s3 =	sadd.s32 $0x88, s3;
	s6 =	simm.s32 @!p1 $0x1082;
	[sflag:s4] =	ssyncset.s32 $0xFFFFF086  }
0x25: {  	[simem:s6], [sflag:s4] =	dma.local [hbm:s3], $0xF7A  }
0x26: {  	[smem:$0x3F9B] =	sst s1;
	(tag) =	ssettag s2;
	_ =	strace s9  }
0x27: {  	s1 =	sld [smem:$0x3FAB]  }
0x28: {  	s2 =	sld [smem:$0x3FAC]  }
0x29: {  	s4 =	sld [smem:$0x3FAE]  }
0x2a: {  	p0 =	seq.s32 s5, $0x0;
	s5 =	sld [smem:$0x3FAF]  }
0x2b: {  	s6 =	sld [smem:$0x3FB0]  }
0x2c: {  	s7 =	sld [smem:$0x3FB1]  }
0x2d: {  	s3 =	simm.s32 $0x108;
	s8 =	sld [smem:$0x3FB2]  }
0x2e: {  	s3 =	simm.s32 @!p0 $0x1082;
	s9 =	sld [smem:$0x3FB3]  }
0x2f: {  	lr =	sadd.s32 s0, s3;
	s0 =	sld [smem:$0x3FAA]  }
0x30: {  	s3 =	sld [smem:$0x3FAD]  }
0x31: {  	[smem:$0x3FB6] =	sst s10  }
0x32: {  	s10 =	sld [smem:$0x3FB4];
	_ =	sdelay $0x3  }
0x33: {  	p0 =	seq.s32 s10, $0x1;
	s10 =	sld [smem:$0x3FB6];
	_ =	sdelay $0x3  }
0x34: {  	[smem:$0x3FB6] =	sst s10  }
0x35: {  	s10 =	sld [smem:$0x3FB5];
	_ =	sdelay $0x3  }
0x36: {  	p1 =	seq.s32 s10, $0x1;
	s10 =	sld [smem:$0x3FB6];
	_ =	sdelay $0x3  }
0x37: {  	[smem:$0x3FB6] =	sst s10  }
0x38: {  	s10 =	sld [smem:$0x3FB7]  }
0x39: {  	_ = 	snop;
	(pc) =	sbr.ind lr, $3  }
0x3a: {  	_ = 	snop  }
0x3b: {  	_ = 	snop  }
0x3c: {  	p2 =	seq.s32 s10, $0x1;
	s10 =	sld [smem:$0x3FB6]  }
0x3d: {  	_ =	shalt  }
0x3e: {  	_ =	shalt  }
0x3f: {  	_ =	shalt  }
0x40: {  	_ =	shalt  }
0x41: {  	_ =	shalt  }
0x42: {  	_ =	shalt  }
0x43: {  	_ =	shalt  }
0x44: {  	_ =	shalt  }
0x45: {  	_ =	shalt  }
0x46: {  	_ =	shalt  }
0x47: {  	_ =	shalt  }
0x48: {  	_ =	shalt  }
0x49: {  	_ =	shalt  }
0x4a: {  	_ =	shalt  }
0x4b: {  	_ =	shalt  }
0x4c: {  	_ =	shalt  }
0x4d: {  	_ =	shalt  }
0x4e: {  	_ =	shalt  }
0x4f: {  	_ =	shalt  }
0x50: {  	_ =	shalt  }
0x51: {  	_ =	shalt  }
0x52: {  	_ =	shalt  }
0x53: {  	_ =	shalt  }
0x54: {  	_ =	shalt  }
0x55: {  	_ =	shalt  }
0x56: {  	_ =	shalt  }
0x57: {  	_ =	shalt  }
0x58: {  	_ =	shalt  }
0x59: {  	_ =	shalt  }
0x5a: {  	_ =	shalt  }
0x5b: {  	_ =	shalt  }
0x5c: {  	_ =	shalt  }
0x5d: {  	_ =	shalt  }
0x5e: {  	_ =	shalt  }
0x5f: {  	_ =	shalt  }
0x60: {  	_ =	shalt  }
0x61: {  	_ =	shalt  }
0x62: {  	_ =	shalt  }
0x63: {  	_ =	shalt  }
0x64: {  	_ =	shalt  }
0x65: {  	_ =	shalt  }
0x66: {  	_ =	shalt  }
0x67: {  	_ =	shalt  }
0x68: {  	_ =	shalt  }
0x69: {  	_ =	shalt  }
0x6a: {  	_ =	shalt  }
0x6b: {  	_ =	shalt  }
0x6c: {  	_ =	shalt  }
0x6d: {  	_ =	shalt  }
0x6e: {  	_ =	shalt  }
0x6f: {  	_ =	shalt  }
0x70: {  	_ =	shalt  }
0x71: {  	_ =	shalt  }
0x72: {  	_ =	shalt  }
0x73: {  	_ =	shalt  }
0x74: {  	_ =	shalt  }
0x75: {  	_ =	shalt  }
0x76: {  	_ =	shalt  }
0x77: {  	_ =	shalt  }
0x78: {  	_ =	shalt  }
0x79: {  	_ =	shalt  }
0x7a: {  	_ =	shalt  }
0x7b: {  	_ =	shalt  }
0x7c: {  	_ =	shalt  }
0x7d: {  	_ =	shalt  }
0x7e: {  	_ =	shalt  }
0x7f: {  	_ =	shalt  }
0x80: {  	_ =	shalt  }
0x81: {  	_ =	shalt  }
0x82: {  	_ =	shalt  }
0x83: {  	_ =	shalt  }
0x84: {  	_ =	shalt  }
0x85: {  	_ =	shalt  }
0x86: {  	_ =	shalt  }
0x87: {  	_ =	shalt  }
.Lfunc_end0:
.L_simem_size_0:
called_computation_lowered:
.L_overlay_start_0:
0x88: {  	s2 =	sld [smem:$0x3FD9]  }
0x89: {  	s3 =	sld [smem:$0x3FFE];
	_ =	sdelay $0x1  }
0x8a: {  	s1 =	srdreg.scid  }
0x8b: {  	s0 =	sand.u32 $0x1, s1  }
0x8c: {  	s17 =	sshll.u32 s0, $0xA;
	s2 =	sadd.s32 s3, s2  }
0x8d: {  	s2 =	sadd.s32 s2, s17  }
0x8e: {  	[smem:$0x3FC2] =	sst s2  }
0x8f: {  	_ = 	snop  }
0x90: {  	s2 =	sld [smem:$0x3FD0];
	(tm) =	ssettm $0x1  }
0x91: {  	s18 =	sld [smem:$0x3FFB];
	_ =	sdelay $0x3  }
0x92: {  	_ =	strace s18  }
0x93: {  	s3 =	sld [smem:$0x3FFC];
	_ =	sdelay $0x3  }
0x94: {  	_ =	strace s3  }
0x95: {  	s3 =	sld [smem:$0x3FFD];
	_ =	sdelay $0x3  }
0x96: {  	_ =	strace s3  }
0x97: {  	_ =	strace $0x8FFFFFFF  }
0x98: {  	s19 =	sld [smem:$0x3FDB];
	_ =	sdelay $0x1  }
0x99: {  	s4 =	simm.s32 $_scs_section_size  }
0x9a: {  	s5 =	simm.s32 $_size__tile_overlayer_lowered;
	s6 =	simm.s32 $_tile_overlayer_lowered  }
0x9b: {  	s22 =	simm.s32 $0x1BFF;
	s21 =	sshll.u32 s6, $0x1;
	s3 =	sadd.s32 s4, s19  }
0x9c: {  	s7 =	simm.s32 $0x0;
	s20 =	sshll.u32 s5, $0x1;
	s5 =	sadd.s32 s21, s3  }
0x9d: {  	[timem:s7], [sflag:s22] =	dma.local [hbm:s5], s20  }
0x9e: {  	_ =	swait.ge [sflag:s22], s20  }
0x9f: {  	s4 =	ssub.s32 $0x0, s20;
	[sflag:s22] =	ssyncset.done $0x0  }
0xa0: {  	[sflag:s22] =	ssyncadd.s32 s4;
	_ =	sdelay $0x1  }
0xa1: {  	s23 =	simm.s32 $0x1B8B  }
0xa2: {  	_ =	swait.ge [sflag:s23], $0x1  }
0xa3: {  	[sflag:s23] =	ssyncset.done $0x0  }
0xa4: {  	s25 =	simm.s32 $0x1B8E;
	s24 =	sld [smem:$0x3FFE];
	[sflag:s23] =	ssyncadd.s32 $0xFFFFFFFF  }
0xa5: {  	s26 =	simm.s32 $execute0_lowered;
	[smem:$0x3FD2] =	sst s25  }
0xa6: {  	s5 =	sshll.u32 s26, $0x1;
	_ =	strace $0x80000046;
	[dreg:$0x1] =	wrdreg $0xFFFFFFFF  }
0xa7: {  	s28 =	simm.s32 $_size_execute0_lowered;
	s3 =	sadd.s32 s3, s5;
	[dreg:$0x0] =	wrdreg $0x0  }
0xa8: {  	s5 =	sshll.u32 s28, $0x1;
	[dreg:$0x2] =	wrdreg s3  }
0xa9: {  	[dreg:$0x3] =	wrdreg s5  }
0xaa: {  	[dreg:$0x4] =	wrdreg $0xC0  }
0xab: {  	_ =	task [dreg:s7], $0x5FFFF  }
0xac: {  	[dreg:$0x1] =	wrdreg $0xFFFFFFFF  }
0xad: {  	[dreg:$0x0] =	wrdreg $0x60  }
0xae: {  	[dreg:$0x2] =	wrdreg s24  }
0xaf: {  	[dreg:$0x3] =	wrdreg s2  }
0xb0: {  	[dreg:$0x4] =	wrdreg $0xC4000  }
0xb1: {  	[dreg:$0x5] =	wrdreg $0x9  }
0xb2: {  	_ =	task.clear_ibuf [dreg:s7], $0x6FFFF;
	_ =	strace $0x90000046  }
0xb3: {  	s29 =	simm.s32 $0x9;
	_ =	strace $0x80000048  }
0xb4: {  	_ =	swait.ge [sflag:s29], $0x1  }
0xb5: {  	[sflag:s29] =	ssyncadd.s32 $0xFFFFFFFF  }
0xb6: {  	_ =	strace $0x90000048  }
0xb7: {  	_ =	sfence  }
0xb8: {  	s30 =	sld [smem:$0x0];
	_ =	sdelay $0x2  }
0xb9: {  	s31 =	sshll.u32 s1, $0xD;
	s1 =	sshrl.u32 s1, $0x2  }
0xba: {  	s3 =	sand.u32 $0x4000, s31;
	s1 =	sadd.s32 s1, s30  }
0xbb: {  	s0 =	sor.u32 s3, s0;
	s1 =	sshll.u32 s1, $0x11  }
0xbc: {  	s0 =	sor.u32 s1, s0  }
0xbd: {  	s0 =	sadd.s32 $0x8F2B, s0  }
0xbe: {  	[sflag:s0] =	ssyncadd.remote.s32 $0x1  }
0xbf: {  	_ =	sfence.sel $0xFFFF  }
0xc0: {  	[dreg:$0x0] =	wrdreg $0xFFFFFFFF;
	(pc) =	sbr.abs _section_cstart, $3  }
0xc1: {  	[dreg:$0x1] =	wrdreg $0xFFFFFFFF  }
0xc2: {  	_ =	task.clear_ibuf [dreg:s7], $0x2FFFF;
	_ =	strace $0x9FFFFFFF  }
0xc3: {  	(tm) =	ssettm $0x7FFFFFFF  }
tec
execute0_lowered:
.L_overlay_start_1:
0x0: {  	(tag) =	ssettag $0x1  }
0x1: {  	s0 =	rddreg [dreg:$0x0]  }
0x2: {  	s1 =	rddreg [dreg:$0x1]  }
0x3: {  	s3 =	srdreg.scid;
	s2 =	rddreg [dreg:$0x2]  }
0x4: {  	s10 =	stileid.u32;
	s11 =	simm.s32 $0x800;
	s23 =	simm.s32 $0x80  }
0x5: {  	s12 =	simm.s32 $0x48;
	s24 =	simm.s32 $0x100;
	s13 =	simm.s32 $0x1000  }
0x6: {  	s25 =	simm.s32 $0x180;
	s14 =	simm.s32 $0x3400;
	s15 =	simm.s32 $0x5800  }
0x7: {  	s16 =	simm.s32 $0x7C00;
	s26 =	simm.s32 $0x200;
	s28 =	simm.s32 $0xA00  }
0x8: {  	s29 =	simm.s32 $0x480;
	s30 =	simm.s32 $0xA80;
	s7 =	smul.u32 $0x2780, s10  }
0x9: {  	s31 =	simm.s32 $0xB00;
	s5 =	sand.u32 $0x1, s3;
	s9 =	smul.u32 $0x4F000, s10  }
0xa: {  	s3 =	simm.s32 $0x0;
	s4 =	sadd.s32 $0x39000, s0;
	s19 =	smul.u32 $0x1C00, s10  }
0xb: {  	s20 =	sshll.u32 s10, $0x6;
	s10 =	simm.s32 $0x3;
	[smem:$0x7FF] =	sst s3  }
0xc: {  	s6 =	smul.u32 $0x1C000, s5;
	_ =	strace $0x80000047;
	[dreg:$0x6] =	wrdreg s23  }
0xd: {  	s8 =	smul.u32 $0x27800, s5;
	s5 =	ssub.s32 $0x2, s5;
	[dreg:$0x7] =	wrdreg s24  }
0xe: {  	s17 =	sshrl.u32 s5, $0x1;
	s18 =	sshrl.u32 s9, $0x2;
	[dreg:$0x8] =	wrdreg s25  }
0xf: {  	s1 =	sadd.s32 s19, s1;
	[dreg:$0x9] =	wrdreg s26;
	s23 =	simm.s32 $0x900  }
0x10: {  	s24 =	simm.s32 $0x380;
	s25 =	simm.s32 $0x980;
	s26 =	simm.s32 $0x400  }
0x11: {  	s9 =	simm.s32 $0x0;
	s6 =	sadd.s32 s6, s0;
	s8 =	sadd.s32 s7, s8  }
0x12: {  	s7 =	sadd.s32 s7, s0;
	s5 =	ssub.s32 s5, s17;
	[dreg:$0x4] =	wrdreg s1  }
0x13: {  	s17 =	simm.s32 $0x1;
	s1 =	simm.s32 $0xC00;
	s0 =	sadd.s32 s8, s0  }
0x14: {  	s8 =	sadd.s32 s18, s2;
	s7 =	sadd.s32 $0x88000, s7;
	s6 =	sadd.s32 s19, s6  }
0x15: {  	s22 =	smax.u32 s5, $0x1;
	s18 =	simm.s32 $0xA000;
	[dreg:$0xa] =	wrdreg s7  }
0x16: {  	s19 =	simm.s32 $0x2;
	s0 =	sadd.s32 $0xAF800, s0;
	[dreg:$0xd] =	wrdreg s22  }
0x17: {  	s5 =	simm.s32 $0xC80;
	s21 =	sadd.s32 $0x1000, s6;
	[dreg:$0xc] =	wrdreg s0  }
0x18: {  	s7 =	sor.u32 $0x1C03, s20;
	s8 =	sshrl.u32 s8, $0x3;
	[dreg:$0x5] =	wrdreg s21  }
0x19: {  	s20 =	simm.s32 $0x280;
	s22 =	simm.s32 $0x300;
	[dreg:$0xb] =	wrdreg s7  }
0x1a: {  	s21 =	simm.s32 $0x880;
	s0 =	simm.s32 $0xB80;
	[dreg:$0xe] =	wrdreg s8  }
.LBB2_1:
0x1b: {  	[dreg:$0xf] =	wrdreg s9  }
0x1c: {  	s6 =	rddreg [dreg:$0xa]  }
0x1d: {  	[spmem:s8], [sflag:s7] =	dma.local [hbm:s6], $0x2780  }
0x1e: {  	_ =	swait.ge [sflag:s10], $0x2780  }
0x1f: {  	[sflag:s10] =	ssyncset.done $0x0  }
0x20: {  	[sflag:s10] =	ssyncadd.s32 $0xFFFFD880  }
0x21: {  	[bflag:$0x0] =	sbarrier.arrive $0xFFFF  }
0x22: {  	s9 =	rddreg [dreg:$0x5]  }
0x23: {  	s6 =	sadd.s32 $0x0, s9  }
0x24: {  	[tilespmem:s3], [sflag:$0x3] =	stream.linear.gather [hbm4b:s6+s3], $0x500, $0x38;
	v63 =	vld [tilespmem:$0x0]  }
0x25: {  	_ =	swait.ge [sflag:s10], $0x500  }
0x26: {  	s7 =	rddreg [dreg:$0x4];
	[sflag:s10] =	ssyncset.done $0x0  }
0x27: {  	[sflag:s10] =	ssyncadd.s32 $0xFFFFFB00;
	s6 =	sadd.s32 $0x0, s7  }
0x28: {  	[tilespmem:s11], [sflag:$0x3] =	stream.linear.gather [hbm4b:s6+s3], $0x500, $0x38;
	v63 =	vld [tilespmem:$0x0]  }
0x29: {  	_ =	swait.ge [sflag:s10], $0x500  }
0x2a: {  	[sflag:s10] =	ssyncset.done $0x0  }
0x2b: {  	[sflag:s10] =	ssyncadd.s32 $0xFFFFFB00  }
0x2c: {  	[tilespmem:s13], [sflag:$0x1] =	stream.indirect.gather [hbm4b:s4+s12], $0x80, s3, s12, $0xb8;
	v63 =	vld [tilespmem:$0x0]  }
0x2d: {  	s8 =	rddreg [dreg:$0x6]  }
0x2e: {  	[tilespmem:s14], [sflag:$0x1] =	stream.indirect.gather [hbm4b:s4+s12], $0x80, s8, s12, $0xb8;
	v63 =	vld [tilespmem:$0x0]  }
0x2f: {  	s9 =	rddreg [dreg:$0x7]  }
0x30: {  	[tilespmem:s15], [sflag:$0x1] =	stream.indirect.gather [hbm4b:s4+s12], $0x80, s9, s12, $0xb8;
	v63 =	vld [tilespmem:$0x0]  }
0x31: {  	s7 =	rddreg [dreg:$0x8]  }
0x32: {  	[tilespmem:s16], [sflag:$0x1] =	stream.indirect.gather [hbm4b:s4+s12], $0x80, s7, s12, $0xb8;
	v63 =	vld [tilespmem:$0x0]  }
0x33: {  	_ =	swait.ge [sflag:s17], $0x2400  }
0x34: {  	[sflag:s17] =	ssyncset.done $0x0  }
0x35: {  	s9 =	rddreg [dreg:$0x9];
	[sflag:s17] =	ssyncadd.s32 $0xFFFFDC00  }
0x36: {  	[tilespmem:s18], [sflag:$0x1] =	stream.indirect.gather [hbm4b:s4+s12], $0x80, s9, s12, $0xb8;
	v63 =	vld [tilespmem:$0x0]  }
0x37: {  	_ = 	snop  }
0x38: {  	[spmem:s2] =	stream.indirect.scatter.add.f32 [tilespmem:s13], [sflag:$0x2], $0x80, s11, s12, $0xb8;
	v63 =	vld [tilespmem:$0x0]  }
0x39: {  	_ =	swait.ge [sflag:s17], $0x2400  }
0x3a: {  	[sflag:s17] =	ssyncset.done $0x0  }
0x3b: {  	[sflag:s17] =	ssyncadd.s32 $0xFFFFDC00  }
0x3c: {  	_ =	swait.ge [sflag:s19], $0x2400  }
0x3d: {  	[sflag:s19] =	ssyncset.done $0x0  }
0x3e: {  	[sflag:s19] =	ssyncadd.s32 $0xFFFFDC00  }
0x3f: {  	[tilespmem:s13], [sflag:$0x1] =	stream.indirect.gather [hbm4b:s4+s12], $0x80, s20, s12, $0xb8;
	v63 =	vld [tilespmem:$0x0]  }
0x40: {  	_ = 	snop  }
0x41: {  	[spmem:s2] =	stream.indirect.scatter.add.f32 [tilespmem:s14], [sflag:$0x2], $0x80, s21, s12, $0xb8;
	v63 =	vld [tilespmem:$0x0]  }
0x42: {  	_ =	swait.ge [sflag:s17], $0x2400  }
0x43: {  	[sflag:s17] =	ssyncset.done $0x0  }
0x44: {  	[sflag:s17] =	ssyncadd.s32 $0xFFFFDC00  }
0x45: {  	_ =	swait.ge [sflag:s19], $0x2400  }
0x46: {  	[sflag:s19] =	ssyncset.done $0x0  }
0x47: {  	[sflag:s19] =	ssyncadd.s32 $0xFFFFDC00  }
0x48: {  	[tilespmem:s14], [sflag:$0x1] =	stream.indirect.gather [hbm4b:s4+s12], $0x80, s22, s12, $0xb8;
	v63 =	vld [tilespmem:$0x0]  }
0x49: {  	_ = 	snop  }
0x4a: {  	[spmem:s2] =	stream.indirect.scatter.add.f32 [tilespmem:s15], [sflag:$0x2], $0x80, s23, s12, $0xb8;
	v63 =	vld [tilespmem:$0x0]  }
0x4b: {  	_ =	swait.ge [sflag:s17], $0x2400  }
0x4c: {  	[sflag:s17] =	ssyncset.done $0x0  }
0x4d: {  	[sflag:s17] =	ssyncadd.s32 $0xFFFFDC00  }
0x4e: {  	_ =	swait.ge [sflag:s19], $0x2400  }
0x4f: {  	[sflag:s19] =	ssyncset.done $0x0  }
0x50: {  	[sflag:s19] =	ssyncadd.s32 $0xFFFFDC00  }
0x51: {  	[tilespmem:s15], [sflag:$0x1] =	stream.indirect.gather [hbm4b:s4+s12], $0x80, s24, s12, $0xb8;
	v63 =	vld [tilespmem:$0x0]  }
0x52: {  	_ = 	snop  }
0x53: {  	[spmem:s2] =	stream.indirect.scatter.add.f32 [tilespmem:s16], [sflag:$0x2], $0x80, s25, s12, $0xb8;
	v63 =	vld [tilespmem:$0x0]  }
0x54: {  	_ =	swait.ge [sflag:s17], $0x2400  }
0x55: {  	[sflag:s17] =	ssyncset.done $0x0  }
0x56: {  	[sflag:s17] =	ssyncadd.s32 $0xFFFFDC00  }
0x57: {  	_ =	swait.ge [sflag:s19], $0x2400  }
0x58: {  	[sflag:s19] =	ssyncset.done $0x0  }
0x59: {  	[sflag:s19] =	ssyncadd.s32 $0xFFFFDC00  }
0x5a: {  	[tilespmem:s16], [sflag:$0x1] =	stream.indirect.gather [hbm4b:s4+s12], $0x80, s26, s12, $0xb8;
	v63 =	vld [tilespmem:$0x0]  }
0x5b: {  	_ = 	snop  }
0x5c: {  	[spmem:s2] =	stream.indirect.scatter.add.f32 [tilespmem:s18], [sflag:$0x2], $0x80, s28, s12, $0xb8;
	v63 =	vld [tilespmem:$0x0]  }
0x5d: {  	_ =	swait.ge [sflag:s17], $0x2400  }
0x5e: {  	[sflag:s17] =	ssyncset.done $0x0  }
0x5f: {  	[sflag:s17] =	ssyncadd.s32 $0xFFFFDC00  }
0x60: {  	_ =	swait.ge [sflag:s19], $0x2400  }
0x61: {  	[sflag:s19] =	ssyncset.done $0x0  }
0x62: {  	[sflag:s19] =	ssyncadd.s32 $0xFFFFDC00  }
0x63: {  	[tilespmem:s18], [sflag:$0x1] =	stream.indirect.gather [hbm4b:s4+s12], $0x80, s29, s12, $0xb8;
	v63 =	vld [tilespmem:$0x0]  }
0x64: {  	_ = 	snop  }
0x65: {  	[spmem:s2] =	stream.indirect.scatter.add.f32 [tilespmem:s13], [sflag:$0x2], $0x80, s30, s12, $0xb8;
	v63 =	vld [tilespmem:$0x0]  }
0x66: {  	_ =	swait.ge [sflag:s17], $0x2400  }
0x67: {  	[sflag:s17] =	ssyncset.done $0x0  }
0x68: {  	[sflag:s17] =	ssyncadd.s32 $0xFFFFDC00  }
0x69: {  	_ =	swait.ge [sflag:s19], $0x2400  }
0x6a: {  	[sflag:s19] =	ssyncset.done $0x0  }
0x6b: {  	[sflag:s19] =	ssyncadd.s32 $0xFFFFDC00  }
0x6c: {  	[spmem:s2] =	stream.indirect.scatter.add.f32 [tilespmem:s14], [sflag:$0x2], $0x80, s31, s12, $0xb8;
	v63 =	vld [tilespmem:$0x0]  }
0x6d: {  	_ =	swait.ge [sflag:s17], $0x2400  }
0x6e: {  	[sflag:s17] =	ssyncset.done $0x0  }
0x6f: {  	[sflag:s17] =	ssyncadd.s32 $0xFFFFDC00  }
0x70: {  	_ =	swait.ge [sflag:s19], $0x2400  }
0x71: {  	[sflag:s19] =	ssyncset.done $0x0  }
0x72: {  	[sflag:s19] =	ssyncadd.s32 $0xFFFFDC00  }
0x73: {  	[spmem:s2] =	stream.indirect.scatter.add.f32 [tilespmem:s15], [sflag:$0x2], $0x80, s0, s12, $0xb8;
	v63 =	vld [tilespmem:$0x0]  }
0x74: {  	_ =	swait.ge [sflag:s17], $0x2400  }
0x75: {  	[sflag:s17] =	ssyncset.done $0x0  }
0x76: {  	[sflag:s17] =	ssyncadd.s32 $0xFFFFDC00  }
0x77: {  	_ =	swait.ge [sflag:s19], $0x2400  }
0x78: {  	[sflag:s19] =	ssyncset.done $0x0  }
0x79: {  	[sflag:s19] =	ssyncadd.s32 $0xFFFFDC00  }
0x7a: {  	[spmem:s2] =	stream.indirect.scatter.add.f32 [tilespmem:s16], [sflag:$0x2], $0x80, s1, s12, $0xb8;
	v63 =	vld [tilespmem:$0x0]  }
0x7b: {  	_ =	swait.ge [sflag:s17], $0x2400  }
0x7c: {  	[sflag:s17] =	ssyncset.done $0x0  }
0x7d: {  	[sflag:s17] =	ssyncadd.s32 $0xFFFFDC00  }
0x7e: {  	_ =	swait.ge [sflag:s19], $0x2400  }
0x7f: {  	[sflag:s19] =	ssyncset.done $0x0  }
0x80: {  	[sflag:s19] =	ssyncadd.s32 $0xFFFFDC00  }
0x81: {  	[spmem:s2] =	stream.indirect.scatter.add.f32 [tilespmem:s18], [sflag:$0x2], $0x80, s5, s12, $0xb8;
	v63 =	vld [tilespmem:$0x0]  }
0x82: {  	s6 =	simm.s32 $0x200;
	_ =	swait.ge [sflag:s19], $0x2400  }
0x83: {  	s8 =	simm.s32 $0x100;
	s9 =	rddreg [dreg:$0x5];
	[sflag:s19] =	ssyncset.done $0x0  }
.LBB2_2:
0x84: {  	[sflag:s19] =	ssyncadd.s32 $0xFFFFDC00;
	s9 =	sadd.s32 s8, s9  }
0x85: {  	[tilespmem:s3], [sflag:$0x3] =	stream.linear.gather [hbm4b:s9+s3], $0x500, $0x38;
	v63 =	vld [tilespmem:$0x0]  }
0x86: {  	_ =	swait.ge [sflag:s10], $0x500  }
0x87: {  	s9 =	rddreg [dreg:$0x4];
	[sflag:s10] =	ssyncset.done $0x0  }
0x88: {  	[sflag:s10] =	ssyncadd.s32 $0xFFFFFB00;
	s9 =	sadd.s32 s8, s9  }
0x89: {  	[tilespmem:s11], [sflag:$0x3] =	stream.linear.gather [hbm4b:s9+s3], $0x500, $0x38;
	v63 =	vld [tilespmem:$0x0]  }
0x8a: {  	_ =	swait.ge [sflag:s10], $0x500  }
0x8b: {  	[sflag:s10] =	ssyncset.done $0x0  }
0x8c: {  	s7 =	smov.u32 s6;
	[sflag:s10] =	ssyncadd.s32 $0xFFFFFB00  }
0x8d: {  	[tilespmem:s13], [sflag:$0x1] =	stream.indirect.gather [hbm4b:s4+s12], $0x80, s3, s12, $0xb8;
	v63 =	vld [tilespmem:$0x0]  }
0x8e: {  	s8 =	smov.u32 s7;
	s7 =	rddreg [dreg:$0x6]  }
0x8f: {  	[tilespmem:s14], [sflag:$0x1] =	stream.indirect.gather [hbm4b:s4+s12], $0x80, s7, s12, $0xb8;
	v63 =	vld [tilespmem:$0x0]  }
0x90: {  	s9 =	rddreg [dreg:$0x7]  }
0x91: {  	[tilespmem:s15], [sflag:$0x1] =	stream.indirect.gather [hbm4b:s4+s12], $0x80, s9, s12, $0xb8;
	v63 =	vld [tilespmem:$0x0]  }
0x92: {  	s7 =	rddreg [dreg:$0x8]  }
0x93: {  	[tilespmem:s16], [sflag:$0x1] =	stream.indirect.gather [hbm4b:s4+s12], $0x80, s7, s12, $0xb8;
	v63 =	vld [tilespmem:$0x0]  }
0x94: {  	_ =	swait.ge [sflag:s17], $0x2400  }
0x95: {  	[sflag:s17] =	ssyncset.done $0x0  }
0x96: {  	s9 =	rddreg [dreg:$0x9];
	[sflag:s17] =	ssyncadd.s32 $0xFFFFDC00  }
0x97: {  	[tilespmem:s18], [sflag:$0x1] =	stream.indirect.gather [hbm4b:s4+s12], $0x80, s9, s12, $0xb8;
	v63 =	vld [tilespmem:$0x0]  }
0x98: {  	_ = 	snop  }
0x99: {  	[spmem:s2] =	stream.indirect.scatter.add.f32 [tilespmem:s13], [sflag:$0x2], $0x80, s11, s12, $0xb8;
	v63 =	vld [tilespmem:$0x0]  }
0x9a: {  	_ =	swait.ge [sflag:s17], $0x2400  }
0x9b: {  	[sflag:s17] =	ssyncset.done $0x0  }
0x9c: {  	[sflag:s17] =	ssyncadd.s32 $0xFFFFDC00  }
0x9d: {  	_ =	swait.ge [sflag:s19], $0x2400  }
0x9e: {  	[sflag:s19] =	ssyncset.done $0x0  }
0x9f: {  	[sflag:s19] =	ssyncadd.s32 $0xFFFFDC00  }
0xa0: {  	[tilespmem:s13], [sflag:$0x1] =	stream.indirect.gather [hbm4b:s4+s12], $0x80, s20, s12, $0xb8;
	v63 =	vld [tilespmem:$0x0]  }
0xa1: {  	_ = 	snop  }
0xa2: {  	[spmem:s2] =	stream.indirect.scatter.add.f32 [tilespmem:s14], [sflag:$0x2], $0x80, s21, s12, $0xb8;
	v63 =	vld [tilespmem:$0x0]  }
0xa3: {  	_ =	swait.ge [sflag:s17], $0x2400  }
0xa4: {  	[sflag:s17] =	ssyncset.done $0x0  }
0xa5: {  	[sflag:s17] =	ssyncadd.s32 $0xFFFFDC00  }
0xa6: {  	_ =	swait.ge [sflag:s19], $0x2400  }
0xa7: {  	[sflag:s19] =	ssyncset.done $0x0  }
0xa8: {  	[sflag:s19] =	ssyncadd.s32 $0xFFFFDC00  }
0xa9: {  	[tilespmem:s14], [sflag:$0x1] =	stream.indirect.gather [hbm4b:s4+s12], $0x80, s22, s12, $0xb8;
	v63 =	vld [tilespmem:$0x0]  }
0xaa: {  	_ = 	snop  }
0xab: {  	[spmem:s2] =	stream.indirect.scatter.add.f32 [tilespmem:s15], [sflag:$0x2], $0x80, s23, s12, $0xb8;
	v63 =	vld [tilespmem:$0x0]  }
0xac: {  	_ =	swait.ge [sflag:s17], $0x2400  }
0xad: {  	[sflag:s17] =	ssyncset.done $0x0  }
0xae: {  	[sflag:s17] =	ssyncadd.s32 $0xFFFFDC00  }
0xaf: {  	_ =	swait.ge [sflag:s19], $0x2400  }
0xb0: {  	[sflag:s19] =	ssyncset.done $0x0  }
0xb1: {  	[sflag:s19] =	ssyncadd.s32 $0xFFFFDC00  }
0xb2: {  	[tilespmem:s15], [sflag:$0x1] =	stream.indirect.gather [hbm4b:s4+s12], $0x80, s24, s12, $0xb8;
	v63 =	vld [tilespmem:$0x0]  }
0xb3: {  	_ = 	snop  }
0xb4: {  	[spmem:s2] =	stream.indirect.scatter.add.f32 [tilespmem:s16], [sflag:$0x2], $0x80, s25, s12, $0xb8;
	v63 =	vld [tilespmem:$0x0]  }
0xb5: {  	_ =	swait.ge [sflag:s17], $0x2400  }
0xb6: {  	[sflag:s17] =	ssyncset.done $0x0  }
0xb7: {  	[sflag:s17] =	ssyncadd.s32 $0xFFFFDC00  }
0xb8: {  	_ =	swait.ge [sflag:s19], $0x2400  }
0xb9: {  	[sflag:s19] =	ssyncset.done $0x0  }
0xba: {  	[sflag:s19] =	ssyncadd.s32 $0xFFFFDC00  }
0xbb: {  	[tilespmem:s16], [sflag:$0x1] =	stream.indirect.gather [hbm4b:s4+s12], $0x80, s26, s12, $0xb8;
	v63 =	vld [tilespmem:$0x0]  }
0xbc: {  	_ = 	snop  }
0xbd: {  	[spmem:s2] =	stream.indirect.scatter.add.f32 [tilespmem:s18], [sflag:$0x2], $0x80, s28, s12, $0xb8;
	v63 =	vld [tilespmem:$0x0]  }
0xbe: {  	_ =	swait.ge [sflag:s17], $0x2400  }
0xbf: {  	[sflag:s17] =	ssyncset.done $0x0  }
0xc0: {  	[sflag:s17] =	ssyncadd.s32 $0xFFFFDC00  }
0xc1: {  	_ =	swait.ge [sflag:s19], $0x2400  }
0xc2: {  	[sflag:s19] =	ssyncset.done $0x0  }
0xc3: {  	[sflag:s19] =	ssyncadd.s32 $0xFFFFDC00  }
0xc4: {  	[tilespmem:s18], [sflag:$0x1] =	stream.indirect.gather [hbm4b:s4+s12], $0x80, s29, s12, $0xb8;
	v63 =	vld [tilespmem:$0x0]  }
0xc5: {  	_ = 	snop  }
0xc6: {  	[spmem:s2] =	stream.indirect.scatter.add.f32 [tilespmem:s13], [sflag:$0x2], $0x80, s30, s12, $0xb8;
	v63 =	vld [tilespmem:$0x0]  }
0xc7: {  	_ =	swait.ge [sflag:s17], $0x2400  }
0xc8: {  	[sflag:s17] =	ssyncset.done $0x0  }
0xc9: {  	[sflag:s17] =	ssyncadd.s32 $0xFFFFDC00  }
0xca: {  	_ =	swait.ge [sflag:s19], $0x2400  }
0xcb: {  	[sflag:s19] =	ssyncset.done $0x0  }
0xcc: {  	[sflag:s19] =	ssyncadd.s32 $0xFFFFDC00  }
0xcd: {  	[spmem:s2] =	stream.indirect.scatter.add.f32 [tilespmem:s14], [sflag:$0x2], $0x80, s31, s12, $0xb8;
	v63 =	vld [tilespmem:$0x0]  }
0xce: {  	_ =	swait.ge [sflag:s17], $0x2400  }
0xcf: {  	[sflag:s17] =	ssyncset.done $0x0  }
0xd0: {  	[sflag:s17] =	ssyncadd.s32 $0xFFFFDC00  }
0xd1: {  	_ =	swait.ge [sflag:s19], $0x2400  }
0xd2: {  	[sflag:s19] =	ssyncset.done $0x0  }
0xd3: {  	[sflag:s19] =	ssyncadd.s32 $0xFFFFDC00  }
0xd4: {  	[spmem:s2] =	stream.indirect.scatter.add.f32 [tilespmem:s15], [sflag:$0x2], $0x80, s0, s12, $0xb8;
	v63 =	vld [tilespmem:$0x0]  }
0xd5: {  	_ =	swait.ge [sflag:s17], $0x2400  }
0xd6: {  	[sflag:s17] =	ssyncset.done $0x0  }
0xd7: {  	[sflag:s17] =	ssyncadd.s32 $0xFFFFDC00  }
0xd8: {  	_ =	swait.ge [sflag:s19], $0x2400  }
0xd9: {  	[sflag:s19] =	ssyncset.done $0x0  }
0xda: {  	[sflag:s19] =	ssyncadd.s32 $0xFFFFDC00  }
0xdb: {  	[spmem:s2] =	stream.indirect.scatter.add.f32 [tilespmem:s16], [sflag:$0x2], $0x80, s1, s12, $0xb8;
	v63 =	vld [tilespmem:$0x0]  }
0xdc: {  	_ =	swait.ge [sflag:s17], $0x2400  }
0xdd: {  	[sflag:s17] =	ssyncset.done $0x0  }
0xde: {  	[sflag:s17] =	ssyncadd.s32 $0xFFFFDC00  }
0xdf: {  	p0 =	sne.s32 s6, $0x1B00;
	_ =	swait.ge [sflag:s19], $0x2400  }
.Ltmp0:
0xe0: {  	[sflag:s19] =	ssyncset.done $0x0;
	(pc) =	sbr.rel @p0 .LBB2_2-.Ltmp0, $4  }
0xe1: {  	[sflag:s19] =	ssyncadd.s32 $0xFFFFDC00  }
0xe2: {  	[spmem:s2] =	stream.indirect.scatter.add.f32 [tilespmem:s18], [sflag:$0x2], $0x80, s5, s12, $0xb8;
	v63 =	vld [tilespmem:$0x0]  }
0xe3: {  	_ =	swait.ge [sflag:s19], $0x2400  }
0xe4: {  	s6 =	sadd.s32 $0x100, s6;
	s9 =	rddreg [dreg:$0x5];
	[sflag:s19] =	ssyncset.done $0x0  }
0xe5: {  	[sflag:s19] =	ssyncadd.s32 $0xFFFFDC00;
	s6 =	sadd.s32 s8, s9  }
0xe6: {  	[tilespmem:s3], [sflag:$0x3] =	stream.linear.gather [hbm4b:s6+s3], $0x500, $0x38;
	v63 =	vld [tilespmem:$0x0]  }
0xe7: {  	_ =	swait.ge [sflag:s10], $0x500  }
0xe8: {  	s7 =	rddreg [dreg:$0x4];
	[sflag:s10] =	ssyncset.done $0x0  }
0xe9: {  	[sflag:s10] =	ssyncadd.s32 $0xFFFFFB00;
	s6 =	sadd.s32 s8, s7  }
0xea: {  	[tilespmem:s11], [sflag:$0x3] =	stream.linear.gather [hbm4b:s6+s3], $0x500, $0x38;
	v63 =	vld [tilespmem:$0x0]  }
0xeb: {  	_ =	swait.ge [sflag:s10], $0x500  }
0xec: {  	[sflag:s10] =	ssyncset.done $0x0  }
0xed: {  	[sflag:s10] =	ssyncadd.s32 $0xFFFFFB00  }
0xee: {  	[tilespmem:s13], [sflag:$0x1] =	stream.indirect.gather [hbm4b:s4+s12], $0x80, s3, s12, $0xb8;
	v63 =	vld [tilespmem:$0x0]  }
0xef: {  	s8 =	rddreg [dreg:$0x6]  }
0xf0: {  	[tilespmem:s14], [sflag:$0x1] =	stream.indirect.gather [hbm4b:s4+s12], $0x80, s8, s12, $0xb8;
	v63 =	vld [tilespmem:$0x0]  }
0xf1: {  	s7 =	rddreg [dreg:$0x7]  }
0xf2: {  	[tilespmem:s15], [sflag:$0x1] =	stream.indirect.gather [hbm4b:s4+s12], $0x80, s7, s12, $0xb8;
	v63 =	vld [tilespmem:$0x0]  }
0xf3: {  	s9 =	rddreg [dreg:$0x8]  }
0xf4: {  	[tilespmem:s16], [sflag:$0x1] =	stream.indirect.gather [hbm4b:s4+s12], $0x80, s9, s12, $0xb8;
	v63 =	vld [tilespmem:$0x0]  }
0xf5: {  	_ =	swait.ge [sflag:s17], $0x2400  }
0xf6: {  	[sflag:s17] =	ssyncset.done $0x0  }
0xf7: {  	s8 =	rddreg [dreg:$0x9];
	[sflag:s17] =	ssyncadd.s32 $0xFFFFDC00  }
0xf8: {  	[tilespmem:s18], [sflag:$0x1] =	stream.indirect.gather [hbm4b:s4+s12], $0x80, s8, s12, $0xb8;
	v63 =	vld [tilespmem:$0x0]  }
0xf9: {  	_ = 	snop  }
0xfa: {  	[spmem:s2] =	stream.indirect.scatter.add.f32 [tilespmem:s13], [sflag:$0x2], $0x80, s11, s12, $0xb8;
	v63 =	vld [tilespmem:$0x0]  }
0xfb: {  	_ =	swait.ge [sflag:s17], $0x2400  }
0xfc: {  	[sflag:s17] =	ssyncset.done $0x0  }
0xfd: {  	[sflag:s17] =	ssyncadd.s32 $0xFFFFDC00  }
0xfe: {  	_ =	swait.ge [sflag:s19], $0x2400  }
0xff: {  	[sflag:s19] =	ssyncset.done $0x0  }
0x100: {  	[sflag:s19] =	ssyncadd.s32 $0xFFFFDC00  }
0x101: {  	[tilespmem:s13], [sflag:$0x1] =	stream.indirect.gather [hbm4b:s4+s12], $0x80, s20, s12, $0xb8;
	v63 =	vld [tilespmem:$0x0]  }
0x102: {  	_ = 	snop  }
0x103: {  	[spmem:s2] =	stream.indirect.scatter.add.f32 [tilespmem:s14], [sflag:$0x2], $0x80, s21, s12, $0xb8;
	v63 =	vld [tilespmem:$0x0]  }
0x104: {  	_ =	swait.ge [sflag:s17], $0x2400  }
0x105: {  	[sflag:s17] =	ssyncset.done $0x0  }
0x106: {  	[sflag:s17] =	ssyncadd.s32 $0xFFFFDC00  }
0x107: {  	_ =	swait.ge [sflag:s19], $0x2400  }
0x108: {  	[sflag:s19] =	ssyncset.done $0x0  }
0x109: {  	[sflag:s19] =	ssyncadd.s32 $0xFFFFDC00  }
0x10a: {  	[tilespmem:s14], [sflag:$0x1] =	stream.indirect.gather [hbm4b:s4+s12], $0x80, s22, s12, $0xb8;
	v63 =	vld [tilespmem:$0x0]  }
0x10b: {  	_ = 	snop  }
0x10c: {  	[spmem:s2] =	stream.indirect.scatter.add.f32 [tilespmem:s15], [sflag:$0x2], $0x80, s23, s12, $0xb8;
	v63 =	vld [tilespmem:$0x0]  }
0x10d: {  	_ =	swait.ge [sflag:s17], $0x2400  }
0x10e: {  	[sflag:s17] =	ssyncset.done $0x0  }
0x10f: {  	[sflag:s17] =	ssyncadd.s32 $0xFFFFDC00  }
0x110: {  	_ =	swait.ge [sflag:s19], $0x2400  }
0x111: {  	[sflag:s19] =	ssyncset.done $0x0  }
0x112: {  	[sflag:s19] =	ssyncadd.s32 $0xFFFFDC00  }
0x113: {  	[tilespmem:s15], [sflag:$0x1] =	stream.indirect.gather [hbm4b:s4+s12], $0x80, s24, s12, $0xb8;
	v63 =	vld [tilespmem:$0x0]  }
0x114: {  	_ = 	snop  }
0x115: {  	[spmem:s2] =	stream.indirect.scatter.add.f32 [tilespmem:s16], [sflag:$0x2], $0x80, s25, s12, $0xb8;
	v63 =	vld [tilespmem:$0x0]  }
0x116: {  	_ =	swait.ge [sflag:s17], $0x2400  }
0x117: {  	[sflag:s17] =	ssyncset.done $0x0  }
0x118: {  	[sflag:s17] =	ssyncadd.s32 $0xFFFFDC00  }
0x119: {  	_ =	swait.ge [sflag:s19], $0x2400  }
0x11a: {  	[sflag:s19] =	ssyncset.done $0x0  }
0x11b: {  	[sflag:s19] =	ssyncadd.s32 $0xFFFFDC00  }
0x11c: {  	[tilespmem:s16], [sflag:$0x1] =	stream.indirect.gather [hbm4b:s4+s12], $0x80, s26, s12, $0xb8;
	v63 =	vld [tilespmem:$0x0]  }
0x11d: {  	_ = 	snop  }
0x11e: {  	[spmem:s2] =	stream.indirect.scatter.add.f32 [tilespmem:s18], [sflag:$0x2], $0x80, s28, s12, $0xb8;
	v63 =	vld [tilespmem:$0x0]  }
0x11f: {  	_ =	swait.ge [sflag:s17], $0x2400  }
0x120: {  	[sflag:s17] =	ssyncset.done $0x0  }
0x121: {  	[sflag:s17] =	ssyncadd.s32 $0xFFFFDC00  }
0x122: {  	_ =	swait.ge [sflag:s19], $0x2400  }
0x123: {  	[sflag:s19] =	ssyncset.done $0x0  }
0x124: {  	[sflag:s19] =	ssyncadd.s32 $0xFFFFDC00  }
0x125: {  	[tilespmem:s18], [sflag:$0x1] =	stream.indirect.gather [hbm4b:s4+s12], $0x80, s29, s12, $0xb8;
	v63 =	vld [tilespmem:$0x0]  }
0x126: {  	_ = 	snop  }
0x127: {  	[spmem:s2] =	stream.indirect.scatter.add.f32 [tilespmem:s13], [sflag:$0x2], $0x80, s30, s12, $0xb8;
	v63 =	vld [tilespmem:$0x0]  }
0x128: {  	_ =	swait.ge [sflag:s17], $0x2400  }
0x129: {  	[sflag:s17] =	ssyncset.done $0x0  }
0x12a: {  	[sflag:s17] =	ssyncadd.s32 $0xFFFFDC00  }
0x12b: {  	_ =	swait.ge [sflag:s19], $0x2400  }
0x12c: {  	[sflag:s19] =	ssyncset.done $0x0  }
0x12d: {  	[sflag:s19] =	ssyncadd.s32 $0xFFFFDC00  }
0x12e: {  	[spmem:s2] =	stream.indirect.scatter.add.f32 [tilespmem:s14], [sflag:$0x2], $0x80, s31, s12, $0xb8;
	v63 =	vld [tilespmem:$0x0]  }
0x12f: {  	_ =	swait.ge [sflag:s17], $0x2400  }
0x130: {  	[sflag:s17] =	ssyncset.done $0x0  }
0x131: {  	[sflag:s17] =	ssyncadd.s32 $0xFFFFDC00  }
0x132: {  	_ =	swait.ge [sflag:s19], $0x2400  }
0x133: {  	[sflag:s19] =	ssyncset.done $0x0  }
0x134: {  	[sflag:s19] =	ssyncadd.s32 $0xFFFFDC00  }
0x135: {  	[spmem:s2] =	stream.indirect.scatter.add.f32 [tilespmem:s15], [sflag:$0x2], $0x80, s0, s12, $0xb8;
	v63 =	vld [tilespmem:$0x0]  }
0x136: {  	_ =	swait.ge [sflag:s17], $0x2400  }
0x137: {  	[sflag:s17] =	ssyncset.done $0x0  }
0x138: {  	[sflag:s17] =	ssyncadd.s32 $0xFFFFDC00  }
0x139: {  	_ =	swait.ge [sflag:s19], $0x2400  }
0x13a: {  	[sflag:s19] =	ssyncset.done $0x0  }
0x13b: {  	[sflag:s19] =	ssyncadd.s32 $0xFFFFDC00  }
0x13c: {  	[spmem:s2] =	stream.indirect.scatter.add.f32 [tilespmem:s16], [sflag:$0x2], $0x80, s1, s12, $0xb8;
	v63 =	vld [tilespmem:$0x0]  }
0x13d: {  	_ =	swait.ge [sflag:s17], $0x2400  }
0x13e: {  	[sflag:s17] =	ssyncset.done $0x0  }
0x13f: {  	[sflag:s17] =	ssyncadd.s32 $0xFFFFDC00  }
0x140: {  	_ =	swait.ge [sflag:s19], $0x2400  }
0x141: {  	[sflag:s19] =	ssyncset.done $0x0  }
0x142: {  	[sflag:s19] =	ssyncadd.s32 $0xFFFFDC00  }
0x143: {  	[spmem:s2] =	stream.indirect.scatter.add.f32 [tilespmem:s18], [sflag:$0x2], $0x80, s5, s12, $0xb8;
	v63 =	vld [tilespmem:$0x0]  }
0x144: {  	_ =	swait.ge [sflag:s19], $0x2400  }
0x145: {  	[sflag:s19] =	ssyncset.done $0x0  }
0x146: {  	[sflag:s19] =	ssyncadd.s32 $0xFFFFDC00  }
0x147: {  	[bflag:$0x0] =	sbarrier.arrive $0xFFFF  }
0x148: {  	s7 =	rddreg [dreg:$0xb]  }
0x149: {  	s9 =	rddreg [dreg:$0xc]  }
0x14a: {  	s8 =	rddreg [dreg:$0xe]  }
0x14b: {  	[hbm:s9], [sflag:s7] =	dma.local [spmem:s8], $0x2780  }
0x14c: {  	_ =	swait.ge [sflag:s10], $0x2780  }
0x14d: {  	s6 =	rddreg [dreg:$0xf]  }
0x14e: {  	s9 =	sadd.s32 $0x1, s6;
	s6 =	rddreg [dreg:$0xd]  }
0x14f: {  	p0 =	sne.s32 s9, s6  }
.Ltmp1:
0x150: {  	_ = 	snop;
	(pc) =	sbr.rel @p0 .LBB2_1-.Ltmp1, $3  }
0x151: {  	_ =	sdelay $0x1  }
0x152: {  	[sflag:s10] =	ssyncset.done $0x0  }
0x153: {  	[sflag:s10] =	ssyncadd.s32 $0xFFFFD880  }
0x154: {  	_ =	sfence.sel $0x180000  }
0x155: {  	[bflag:$0x0] =	sbarrier.arrive $0xFFFF  }
0x156: {  	_ =	strace $0x90000047  }
0x157: {  	s0 =	stileid.u32;
	[bflag:$0x2] =	sbarrier.arrive $0xFFFF  }
0x158: {  	p0 =	sne.s32 s0, $0x0;
	s0 =	rddreg [dreg:$0x3]  }
0x159: {  	s0 =	sadd.s32 @!p0 $0x100000, s0  }
0x15a: {  	[sflag:s0] =	ssyncadd.tile.s32 @!p0 $0x1;
	_ =	shalt  }
.Lfunc_end2:
_tile_overlayer_lowered:
.L_overlay_start_2:
0x15b: {  	(tag) =	ssettag $0x2  }
0x15c: {  	s0 =	rddreg [dreg:$0x0];
	s2 =	stileid.u32  }
0x15d: {  	s1 =	rddreg [dreg:$0x1];
	p0 =	sne.s32 s2, $0x0  }
0x15e: {  	s3 =	rddreg [dreg:$0x2];
	[bflag:$0x3] =	sbarrier.arrive $0xFFFF;
	s2 =	simm.s32 @!p0 $0x1C03  }
0x15f: {  	[timem:s3], [sflag:s2] =	dma.local @!p0 [hbm:s0], s1  }
0x160: {  	s0 =	simm.s32 @!p0 $0x3  }
0x161: {  	_ =	swait.ge @!p0 [sflag:s0], s1  }
0x162: {  	s1 =	ssub.s32 @!p0 $0x0, s1;
	[sflag:s0] =	ssyncset.done @!p0 $0x0  }
0x163: {  	[sflag:s0] =	ssyncadd.s32 @!p0 s1  }
0x164: {  	[bflag:$0x3] =	sbarrier.arrive $0xFFFF  }
0x165: {  	_ =	shalt  }

</sc_bundles>
